<compile_context>
chip_gen: v7x
topology: tpu7x:2x2x1
jax: 0.10.2.dev20260603
libtpu: 0.0.44.dev20260713+nightly
codegen_flags: <defaults>
</compile_context>

<pallas_src>
import functools
import math

import jax
import jax.numpy as jnp
from jax import lax
from jax.experimental import pallas as pl
from jax.experimental.pallas import tpu as pltpu
from jax.experimental.pallas import tpu_sc as plsc

EPS = 1e-7
CIOU_NORMALIZER = 0.07
OBJECT_NORMALIZER = 1.0

N, H, W, A, D = 8, 64, 64, 3, 85
C = D - 5
M = 128
CELLS = N * H * W * A

ROWS_PER_WORKER = 16
NWORK = M // ROWS_PER_WORKER

FLAT = CELLS * D
TROWS = FLAT // 128
WIN = 256


@functools.cache
def _make_sc_gather():
    mesh = plsc.VectorSubcoreMesh(core_axis_name="c", subcore_axis_name="s")

    @functools.partial(
        pl.kernel,
        mesh=mesh,
        out_type=jax.ShapeDtypeStruct((M, WIN), jnp.float32),
        scratch_types=[
            pltpu.VMEM((ROWS_PER_WORKER,), jnp.int32),
            pltpu.VMEM((ROWS_PER_WORKER,), jnp.int32),
            pltpu.VMEM((ROWS_PER_WORKER,), jnp.int32),
            pltpu.VMEM((ROWS_PER_WORKER, 128), jnp.float32),
            pltpu.VMEM((ROWS_PER_WORKER, 128), jnp.float32),
            pltpu.SemaphoreType.DMA,
        ],
    )
    def sc_gather(pn, py, px, pc, tbl, out, tmp_v, r0_v, r1_v, win0, win1, sem):
        cid = lax.axis_index("c")
        sid = lax.axis_index("s")
        wid = sid * 2 + cid

        @pl.when(wid < NWORK)
        def _():
            base = wid * ROWS_PER_WORKER
            pltpu.sync_copy(pn.at[pl.ds(base, ROWS_PER_WORKER)], tmp_v)
            acc = tmp_v[...] * (H * W * A)
            pltpu.sync_copy(py.at[pl.ds(base, ROWS_PER_WORKER)], tmp_v)
            acc = acc + tmp_v[...] * (W * A)
            pltpu.sync_copy(px.at[pl.ds(base, ROWS_PER_WORKER)], tmp_v)
            acc = acc + tmp_v[...] * A
            pltpu.sync_copy(pc.at[pl.ds(base, ROWS_PER_WORKER)], tmp_v)
            acc = acc + tmp_v[...]
            e = acc * D
            r0 = jnp.right_shift(e, 7)
            r0_v[...] = r0
            r1_v[...] = jnp.minimum(r0 + 1, TROWS - 1)
            cp0 = pltpu.async_copy(tbl.at[r0_v], win0, sem)
            cp1 = pltpu.async_copy(tbl.at[r1_v], win1, sem)
            cp0.wait()
            cp1.wait()
            pltpu.sync_copy(
                win0, out.at[pl.ds(base, ROWS_PER_WORKER), pl.ds(0, 128)])
            pltpu.sync_copy(
                win1, out.at[pl.ds(base, ROWS_PER_WORKER), pl.ds(128, 128)])

    return sc_gather


def _sc_gather(pn, py, px, pc, tbl):
    return _make_sc_gather()(pn, py, px, pc, tbl)


_ATAN_COEF = (0.9999994932166498, -0.3332772218237279, 0.19897351305694735,
              -0.13562200296788732, 0.08545348670773983, -0.0385361158761896,
              0.00840877541690009)


def _atan_pos(x):
    t = jnp.where(x > 1.0, 1.0 / jnp.maximum(x, 1.0), x)
    u = t * t
    p = jnp.full_like(x, _ATAN_COEF[-1])
    for coef in _ATAN_COEF[-2::-1]:
        p = p * u + coef
    at = t * p
    return jnp.where(x > 1.0, (math.pi / 2) - at, at)


BRT = 5440
DGRID = (CELLS * D) // (BRT * 128)


def _tc_dense_body(fr_ref, fc_ref, ct_ref, tb_ref, g_ref, pred_hbm,
                   out_ref, buf, msk, acc_ref, sems):
    k = pl.program_id(0)

    def copy(step, slot):
        return pltpu.make_async_copy(
            pred_hbm.at[pl.ds(step * BRT, BRT), :], buf.at[slot],
            sems.at[slot])

    @pl.when(k == 0)
    def _():
        acc_ref[0, 0] = 0.0
        row = lax.broadcasted_iota(jnp.int32, (BRT, 128), 0)
        lane = lax.broadcasted_iota(jnp.int32, (BRT, 128), 1)
        pf = (row * 128 + lane).astype(jnp.float32)
        q = jnp.floor(pf * (1.0 / 85.0))
        r = pf - q * 85.0
        r = jnp.where(r >= 85.0, r - 85.0, r)
        r = jnp.where(r < 0.0, r + 85.0, r)
        msk[...] = jnp.where(r == 4.0, 1.0, 0.0)
        copy(0, 0).start()

    @pl.when(k + 1 < DGRID)
    def _():
        copy(k + 1, (k + 1) % 2).start()

    slot = k % 2
    copy(k, slot).wait()
    c = jnp.clip(buf[slot], EPS, 1.0 - EPS)
    acc_ref[0, 0] += jnp.sum(msk[...] * -jnp.log(1.0 - c))

    @pl.when(k == DGRID - 1)
    def _():
        gw = g_ref[...]
        fc = fc_ref[...]
        e = fc * D
        off = jnp.bitwise_and(e, 127)
        dd = lax.broadcasted_iota(jnp.int32, (M, WIN), 1) - off

        def sel(d):
            return jnp.sum(jnp.where(dd == d, gw, 0.0), axis=1, keepdims=True)

        tb = tb_ref[...]
        pb_x, pb_y = sel(0), sel(1)
        pb_w, pb_h = sel(2), sel(3)
        tb_x, tb_y = tb[:, 0:1], tb[:, 1:2]
        tb_w, tb_h = tb[:, 2:3], tb[:, 3:4]

        a_tl_x, a_tl_y = pb_x - pb_w / 2, pb_y - pb_h / 2
        a_br_x, a_br_y = pb_x + pb_w / 2, pb_y + pb_h / 2
        b_tl_x, b_tl_y = tb_x - tb_w / 2, tb_y - tb_h / 2
        b_br_x, b_br_y = tb_x + tb_w / 2, tb_y + tb_h / 2

        iw = jnp.maximum(jnp.minimum(a_br_x, b_br_x) - jnp.maximum(a_tl_x, b_tl_x), 0.0)
        ih = jnp.maximum(jnp.minimum(a_br_y, b_br_y) - jnp.maximum(a_tl_y, b_tl_y), 0.0)
        inter = iw * ih
        areas_a = pb_w * pb_h
        areas_b = tb_w * tb_h
        iou = inter / (areas_a + areas_b - inter + EPS)

        box_w = jnp.maximum(a_br_x, b_br_x) - jnp.minimum(a_tl_x, b_tl_x)
        box_h = jnp.maximum(a_br_y, b_br_y) - jnp.minimum(a_tl_y, b_tl_y)
        c2 = box_w * box_w + box_h * box_h + EPS
        ncd2 = ((pb_x - tb_x) ** 2 + (pb_y - tb_y) ** 2) / c2
        ar = _atan_pos(pb_w / (pb_h + EPS)) - _atan_pos(tb_w / (tb_h + EPS))
        v = (4.0 / math.pi**2) * ar * ar
        alpha = v / (1.0 - iou + v + EPS)
        ciou = 1.0 - iou + ncd2 + alpha * v
        ciou_loss = jnp.sum(ciou) / M * CIOU_NORMALIZER

        fr = fr_ref[...]
        jj = lax.broadcasted_iota(jnp.int32, (M, M), 1)
        ii = lax.broadcasted_iota(jnp.int32, (M, M), 0)
        dup_later = jnp.sum(
            jnp.where(jnp.logical_and(fc == fr, jj > ii), 1.0, 0.0),
            axis=1, keepdims=True)
        winner = dup_later == 0.0

        p = jnp.clip(sel(4), EPS, 1.0 - EPS)
        objm = jnp.logical_and(winner, iou != 0.0)
        n_obj = jnp.sum(objm.astype(jnp.float32))
        bce = -(iou * jnp.log(p) + (1.0 - iou) * jnp.log(1.0 - p))
        sum_obj = jnp.sum(jnp.where(objm, bce, 0.0))
        sub_noobj = jnp.sum(jnp.where(objm, -jnp.log(1.0 - p), 0.0))
        object_loss = sum_obj / jnp.maximum(n_obj, 1.0) * OBJECT_NORMALIZER
        no_object_loss = (acc_ref[0, 0] - sub_noobj) / jnp.maximum(
            CELLS - n_obj, 1.0)

        maskc = jnp.logical_and(dd >= 5, dd < 5 + C)
        mx = jnp.max(jnp.where(maskc, gw, -jnp.inf), axis=1, keepdims=True)
        sume = jnp.sum(jnp.exp(jnp.where(maskc, gw - mx, -jnp.inf)),
                       axis=1, keepdims=True)
        lse = mx + jnp.log(sume)
        picked = jnp.sum(
            jnp.where(dd - 5 == ct_ref[...], gw, 0.0), axis=1, keepdims=True)
        class_loss = jnp.sum(lse - picked) / M

        out_ref[0, 0] = ciou_loss + object_loss + no_object_loss + class_loss


_tc_loss = pl.pallas_call(
    _tc_dense_body,
    grid=(DGRID,),
    in_specs=[
        pl.BlockSpec((1, M), lambda k: (0, 0)),
        pl.BlockSpec((M, 1), lambda k: (0, 0)),
        pl.BlockSpec((M, 1), lambda k: (0, 0)),
        pl.BlockSpec((M, 4), lambda k: (0, 0)),
        pl.BlockSpec((M, WIN), lambda k: (0, 0)),
        pl.BlockSpec(memory_space=pl.ANY),
    ],
    out_specs=pl.BlockSpec((1, 1), lambda k: (0, 0), memory_space=pltpu.SMEM),
    out_shape=jax.ShapeDtypeStruct((1, 1), jnp.float32),
    scratch_shapes=[
        pltpu.VMEM((2, BRT, 128), jnp.float32),
        pltpu.VMEM((BRT, 128), jnp.float32),
        pltpu.SMEM((1, 1), jnp.float32),
        pltpu.SemaphoreType.DMA((2,)),
    ],
)


def kernel(prediction, target_bboxes, pred_n, pred_y, pred_x, pred_c, class_target):
    tbl = prediction.reshape(TROWS, 128)
    gathered = _sc_gather(pred_n, pred_y, pred_x, pred_c, tbl)
    flat = ((pred_n * H + pred_y) * W + pred_x) * A + pred_c
    out = _tc_loss(
        flat.reshape(1, M),
        flat.reshape(M, 1),
        class_target.reshape(M, 1),
        target_bboxes,
        gathered,
        tbl,
    )
    return out[0, 0]

# --- scband reference (transcript-rebuilt; emitter-appended) ---
"""Pipeline reference for scband-yolo-v4-loss-52578989637661 (READ-ONLY COPY).

The authoritative reference and input builder live on the scoring server;
editing this copy changes nothing except your own understanding.
"""

import jax, jax.numpy as jnp
import numpy as np
import math

CIOU_NORMALIZER = 0.07
OBJECT_NORMALIZER = 1.0
EPS = 1e-7


def _get_tl_br_points(bboxes):
    tl_x = bboxes[:, 0] - bboxes[:, 2] / 2
    tl_y = bboxes[:, 1] - bboxes[:, 3] / 2
    br_x = bboxes[:, 0] + bboxes[:, 2] / 2
    br_y = bboxes[:, 1] + bboxes[:, 3] / 2
    return tl_x, tl_y, br_x, br_y


def calculate_iou(bboxes_a, bboxes_b):
    areas_a = bboxes_a[:, 2] * bboxes_a[:, 3]
    areas_b = bboxes_b[:, 2] * bboxes_b[:, 3]
    a_tl_x, a_tl_y, a_br_x, a_br_y = _get_tl_br_points(bboxes_a)
    b_tl_x, b_tl_y, b_br_x, b_br_y = _get_tl_br_points(bboxes_b)
    iw = jnp.minimum(a_br_x, b_br_x) - jnp.maximum(a_tl_x, b_tl_x)
    ih = jnp.minimum(a_br_y, b_br_y) - jnp.maximum(a_tl_y, b_tl_y)
    iw = jnp.maximum(iw, 0.0)
    ih = jnp.maximum(ih, 0.0)
    inter = iw * ih
    return inter / (areas_a + areas_b - inter + EPS)


def _calculate_aspect_ratio_consistency(bboxes_a, bboxes_b):
    a = jnp.arctan(bboxes_a[:, 2] / (bboxes_a[:, 3] + EPS)) - jnp.arctan(bboxes_b[:, 2] / (bboxes_b[:, 3] + EPS))
    return 4.0 / math.pi ** 2 * jnp.power(a, 2)


def _calculate_normalized_center_distance_squared(bboxes_a, bboxes_b):
    a_tl_x, a_tl_y, a_br_x, a_br_y = _get_tl_br_points(bboxes_a)
    b_tl_x, b_tl_y, b_br_x, b_br_y = _get_tl_br_points(bboxes_b)
    box_w = jnp.maximum(a_br_x, b_br_x) - jnp.minimum(a_tl_x, b_tl_x)
    box_h = jnp.maximum(a_br_y, b_br_y) - jnp.minimum(a_tl_y, b_tl_y)
    c_squared = jnp.power(box_w, 2) + jnp.power(box_h, 2) + EPS
    cdx = bboxes_a[:, 0] - bboxes_b[:, 0]
    cdy = bboxes_a[:, 1] - bboxes_b[:, 1]
    return (jnp.power(cdx, 2) + jnp.power(cdy, 2)) / c_squared


def _calculate_ciou(bboxes_a, bboxes_b):
    iou = calculate_iou(bboxes_a, bboxes_b)
    ncd2 = _calculate_normalized_center_distance_squared(bboxes_a, bboxes_b)
    v = _calculate_aspect_ratio_consistency(bboxes_a, bboxes_b)
    alpha = v / (1.0 - iou + v + EPS)
    ciou = 1.0 - iou + ncd2 + alpha * v
    return jnp.mean(ciou, axis=0)


def setup_inputs(seed: int = 0):
    key = jax.random.key(seed)
    ks = jax.random.split(key, 8)
    N, H, W, A, C = 8, 64, 64, 3, 80
    M = 128
    prediction = jax.random.uniform(ks[0], (N, H, W, A, 5 + C), dtype=jnp.float32)
    target_bboxes = jax.random.uniform(ks[1], (M, 4), dtype=jnp.float32)
    pred_n = jax.random.randint(ks[2], (M,), 0, N, dtype=jnp.int64) if jax.config.jax_enable_x64 else jax.random.randint(ks[2], (M,), 0, N).astype(jnp.int32)
    pred_y = jax.random.randint(ks[3], (M,), 0, H).astype(jnp.int32)
    pred_x = jax.random.randint(ks[4], (M,), 0, W).astype(jnp.int32)
    pred_c = jax.random.randint(ks[5], (M,), 0, A).astype(jnp.int32)
    class_target = jax.random.randint(ks[6], (M,), 0, C).astype(jnp.int32)
    pred_n = pred_n.astype(jnp.int32)
    return {
        'prediction': prediction,
        'target_bboxes': target_bboxes,
        'pred_n': pred_n,
        'pred_y': pred_y,
        'pred_x': pred_x,
        'pred_c': pred_c,
        'class_target': class_target,
    }


def reference(prediction, target_bboxes, pred_n, pred_y, pred_x, pred_c, class_target):
    N, H, W, A, D = prediction.shape
    C = D - 5
    # Gather matched predictor cells (tensorized version of _build_target loop)
    predicted_bboxes = prediction[pred_n, pred_y, pred_x, pred_c, :4]
    # Confidence target = detached IoU scattered into the grid
    iou_ct = jax.lax.stop_gradient(calculate_iou(predicted_bboxes, target_bboxes))
    confidence_target = jnp.zeros((N, H, W, A), dtype=jnp.float32).at[pred_n, pred_y, pred_x, pred_c].set(iou_ct)
    pred_conf = jnp.clip(prediction[..., 4], EPS, 1.0 - EPS)
    obj_mask = confidence_target != 0
    bce = -(confidence_target * jnp.log(pred_conf) + (1.0 - confidence_target) * jnp.log(1.0 - pred_conf))
    n_obj = jnp.maximum(jnp.sum(obj_mask.astype(jnp.float32)), 1.0)
    n_noobj = jnp.maximum(jnp.sum((~obj_mask).astype(jnp.float32)), 1.0)
    object_loss = jnp.sum(jnp.where(obj_mask, bce, 0.0)) / n_obj
    no_object_loss = jnp.sum(jnp.where(~obj_mask, bce, 0.0)) / n_noobj
    object_loss = object_loss * OBJECT_NORMALIZER  # len(prediction)==1
    # Class loss: cross entropy over gathered class scores
    class_scores = prediction[pred_n, pred_y, pred_x, pred_c, 5:5 + C]
    logp = jax.nn.log_softmax(class_scores, axis=-1)
    class_loss = -jnp.mean(jnp.take_along_axis(logp, class_target[:, None].astype(jnp.int32), axis=1))
    ciou_loss = _calculate_ciou(predicted_bboxes, target_bboxes) * CIOU_NORMALIZER
    loss = ciou_loss + object_loss + no_object_loss + class_loss
    return loss

if __name__ == "__main__":
    import jax
    _d = setup_inputs()
    print(jax.jit(kernel)(*tuple(_d.values())))

</pallas_src>

<mosaic_0001>
#map = affine_map<(d0, d1) -> (0)>
#map1 = affine_map<(d0, d1) -> (0, 0)>
module attributes {stable_mosaic.version = 14 : i64} {
  func.func @sc_gather(%arg0: i32, %arg1: i32, %arg2: memref<128xi32, #tpu.memory_space<hbm>>, %arg3: memref<128xi32, #tpu.memory_space<hbm>>, %arg4: memref<128xi32, #tpu.memory_space<hbm>>, %arg5: memref<128xi32, #tpu.memory_space<hbm>>, %arg6: memref<65280x128xf32, #tpu.memory_space<hbm>>, %arg7: memref<128x256xf32, #tpu.memory_space<hbm>>, %arg8: memref<16xi32, #tpu.memory_space<vmem>>, %arg9: memref<16xi32, #tpu.memory_space<vmem>>, %arg10: memref<16xi32, #tpu.memory_space<vmem>>, %arg11: memref<16x128xf32, #tpu.memory_space<vmem>>, %arg12: memref<16x128xf32, #tpu.memory_space<vmem>>, %arg13: memref<!tpu.dma_semaphore, #tpu.memory_space<semaphore_mem>>) attributes {dimension_semantics = [#tpu.dimension_semantics<core_parallel>, #tpu.dimension_semantics<subcore_parallel>], iteration_bounds = array<i64: 2, 16>, scalar_prefetch = 0 : i64, scratch_operands = 6 : i64, tpu.core_type = #tpu.core_type<sc_vector_subcore>, window_params = [{transform_indices = #map}, {transform_indices = #map}, {transform_indices = #map}, {transform_indices = #map}, {transform_indices = #map1}, {transform_indices = #map1}]} {
    %mul3A = arith.constant 2 : i32
    %mul3A_0 = arith.muli %arg1, %mul3A : i32
    %add3A = arith.addi %mul3A_0, %arg0 : i32
    %lt3A = arith.constant 8 : i32
    %lt3A_1 = arith.cmpi slt, %add3A, %lt3A : i32
    %convert_element_type3A = arith.extui %lt3A_1 : i1 to i32
    %cond3A = arith.constant 0 : i32
    %cond3A_2 = arith.cmpi ne, %convert_element_type3A, %cond3A : i32
    scf.if %cond3A_2 {
      %mul3A_3 = arith.constant 16 : i32
      %mul3A_4 = arith.muli %add3A, %mul3A_3 : i32
      "tpu.region"() ({
        %run_scoped3A = tpu.sem_alloc : memref<!tpu.dma_semaphore, #tpu.memory_space<semaphore_mem>>
        %dma_start3A_55 = tpu.memref_slice %arg2[%mul3A_4] : memref<128xi32, #tpu.memory_space<hbm>> -> memref<16xi32, #tpu.memory_space<hbm>>
        %dma_start3A_56 = tpu.memref_slice %arg2[%mul3A_4] : memref<128xi32, #tpu.memory_space<hbm>> -> memref<16xi32, #tpu.memory_space<hbm>>
        tpu.enqueue_dma source(%dma_start3A_56 : memref<16xi32, #tpu.memory_space<hbm>>) target(%arg8 : memref<16xi32, #tpu.memory_space<vmem>>) target_semaphore(%run_scoped3A : memref<!tpu.dma_semaphore, #tpu.memory_space<semaphore_mem>>)
        %dma_wait3A_57 = tpu.memref_slice %arg2[%mul3A_4] : memref<128xi32, #tpu.memory_space<hbm>> -> memref<16xi32, #tpu.memory_space<hbm>>
        %dma_wait3A_58 = tpu.memref_slice %arg2[%mul3A_4] : memref<128xi32, #tpu.memory_space<hbm>> -> memref<16xi32, #tpu.memory_space<hbm>>
        tpu.wait_dma2 semaphore(%run_scoped3A : memref<!tpu.dma_semaphore, #tpu.memory_space<semaphore_mem>>) src(%dma_wait3A_58 : memref<16xi32, #tpu.memory_space<hbm>>) dst(%arg8 : memref<16xi32, #tpu.memory_space<vmem>>)
        tpu.yield
      }) : () -> ()
      %get3A = arith.constant 0 : index
      %get3A_5 = tpu.vector_load %arg8[%get3A] {strides = array<i32>} : memref<16xi32, #tpu.memory_space<vmem>>, vector<16xi32>,
      %get3A_6 = vector.shape_cast %get3A_5 : vector<16xi32> to vector<16xi32>
      %mul3A_7 = arith.constant 12288 : i32
      %mul3A_8 = vector.broadcast %mul3A_7 : i32 to vector<16xi32>
      %mul3A_9 = arith.muli %get3A_6, %mul3A_8 : vector<16xi32>
      "tpu.region"() ({
        %run_scoped3A = tpu.sem_alloc : memref<!tpu.dma_semaphore, #tpu.memory_space<semaphore_mem>>
        %dma_start3A_55 = tpu.memref_slice %arg3[%mul3A_4] : memref<128xi32, #tpu.memory_space<hbm>> -> memref<16xi32, #tpu.memory_space<hbm>>
        %dma_start3A_56 = tpu.memref_slice %arg3[%mul3A_4] : memref<128xi32, #tpu.memory_space<hbm>> -> memref<16xi32, #tpu.memory_space<hbm>>
        tpu.enqueue_dma source(%dma_start3A_56 : memref<16xi32, #tpu.memory_space<hbm>>) target(%arg8 : memref<16xi32, #tpu.memory_space<vmem>>) target_semaphore(%run_scoped3A : memref<!tpu.dma_semaphore, #tpu.memory_space<semaphore_mem>>)
        %dma_wait3A_57 = tpu.memref_slice %arg3[%mul3A_4] : memref<128xi32, #tpu.memory_space<hbm>> -> memref<16xi32, #tpu.memory_space<hbm>>
        %dma_wait3A_58 = tpu.memref_slice %arg3[%mul3A_4] : memref<128xi32, #tpu.memory_space<hbm>> -> memref<16xi32, #tpu.memory_space<hbm>>
        tpu.wait_dma2 semaphore(%run_scoped3A : memref<!tpu.dma_semaphore, #tpu.memory_space<semaphore_mem>>) src(%dma_wait3A_58 : memref<16xi32, #tpu.memory_space<hbm>>) dst(%arg8 : memref<16xi32, #tpu.memory_space<vmem>>)
        tpu.yield
      }) : () -> ()
      %get3A_10 = arith.constant 0 : index
      %get3A_11 = tpu.vector_load %arg8[%get3A_10] {strides = array<i32>} : memref<16xi32, #tpu.memory_space<vmem>>, vector<16xi32>,
      %get3A_12 = vector.shape_cast %get3A_11 : vector<16xi32> to vector<16xi32>
      %mul3A_13 = arith.constant 192 : i32
      %mul3A_14 = vector.broadcast %mul3A_13 : i32 to vector<16xi32>
      %mul3A_15 = arith.muli %get3A_12, %mul3A_14 : vector<16xi32>
      %add3A_16 = arith.addi %mul3A_9, %mul3A_15 : vector<16xi32>
      "tpu.region"() ({
        %run_scoped3A = tpu.sem_alloc : memref<!tpu.dma_semaphore, #tpu.memory_space<semaphore_mem>>
        %dma_start3A_55 = tpu.memref_slice %arg4[%mul3A_4] : memref<128xi32, #tpu.memory_space<hbm>> -> memref<16xi32, #tpu.memory_space<hbm>>
        %dma_start3A_56 = tpu.memref_slice %arg4[%mul3A_4] : memref<128xi32, #tpu.memory_space<hbm>> -> memref<16xi32, #tpu.memory_space<hbm>>
        tpu.enqueue_dma source(%dma_start3A_56 : memref<16xi32, #tpu.memory_space<hbm>>) target(%arg8 : memref<16xi32, #tpu.memory_space<vmem>>) target_semaphore(%run_scoped3A : memref<!tpu.dma_semaphore, #tpu.memory_space<semaphore_mem>>)
        %dma_wait3A_57 = tpu.memref_slice %arg4[%mul3A_4] : memref<128xi32, #tpu.memory_space<hbm>> -> memref<16xi32, #tpu.memory_space<hbm>>
        %dma_wait3A_58 = tpu.memref_slice %arg4[%mul3A_4] : memref<128xi32, #tpu.memory_space<hbm>> -> memref<16xi32, #tpu.memory_space<hbm>>
        tpu.wait_dma2 semaphore(%run_scoped3A : memref<!tpu.dma_semaphore, #tpu.memory_space<semaphore_mem>>) src(%dma_wait3A_58 : memref<16xi32, #tpu.memory_space<hbm>>) dst(%arg8 : memref<16xi32, #tpu.memory_space<vmem>>)
        tpu.yield
      }) : () -> ()
      %get3A_17 = arith.constant 0 : index
      %get3A_18 = tpu.vector_load %arg8[%get3A_17] {strides = array<i32>} : memref<16xi32, #tpu.memory_space<vmem>>, vector<16xi32>,
      %get3A_19 = vector.shape_cast %get3A_18 : vector<16xi32> to vector<16xi32>
      %mul3A_20 = arith.constant 3 : i32
      %mul3A_21 = vector.broadcast %mul3A_20 : i32 to vector<16xi32>
      %mul3A_22 = arith.muli %get3A_19, %mul3A_21 : vector<16xi32>
      %add3A_23 = arith.addi %add3A_16, %mul3A_22 : vector<16xi32>
      "tpu.region"() ({
        %run_scoped3A = tpu.sem_alloc : memref<!tpu.dma_semaphore, #tpu.memory_space<semaphore_mem>>
        %dma_start3A_55 = tpu.memref_slice %arg5[%mul3A_4] : memref<128xi32, #tpu.memory_space<hbm>> -> memref<16xi32, #tpu.memory_space<hbm>>
        %dma_start3A_56 = tpu.memref_slice %arg5[%mul3A_4] : memref<128xi32, #tpu.memory_space<hbm>> -> memref<16xi32, #tpu.memory_space<hbm>>
        tpu.enqueue_dma source(%dma_start3A_56 : memref<16xi32, #tpu.memory_space<hbm>>) target(%arg8 : memref<16xi32, #tpu.memory_space<vmem>>) target_semaphore(%run_scoped3A : memref<!tpu.dma_semaphore, #tpu.memory_space<semaphore_mem>>)
        %dma_wait3A_57 = tpu.memref_slice %arg5[%mul3A_4] : memref<128xi32, #tpu.memory_space<hbm>> -> memref<16xi32, #tpu.memory_space<hbm>>
        %dma_wait3A_58 = tpu.memref_slice %arg5[%mul3A_4] : memref<128xi32, #tpu.memory_space<hbm>> -> memref<16xi32, #tpu.memory_space<hbm>>
        tpu.wait_dma2 semaphore(%run_scoped3A : memref<!tpu.dma_semaphore, #tpu.memory_space<semaphore_mem>>) src(%dma_wait3A_58 : memref<16xi32, #tpu.memory_space<hbm>>) dst(%arg8 : memref<16xi32, #tpu.memory_space<vmem>>)
        tpu.yield
      }) : () -> ()
      %get3A_24 = arith.constant 0 : index
      %get3A_25 = tpu.vector_load %arg8[%get3A_24] {strides = array<i32>} : memref<16xi32, #tpu.memory_space<vmem>>, vector<16xi32>,
      %get3A_26 = vector.shape_cast %get3A_25 : vector<16xi32> to vector<16xi32>
      %add3A_27 = arith.addi %add3A_23, %get3A_26 : vector<16xi32>
      %mul3A_28 = arith.constant 85 : i32
      %mul3A_29 = vector.broadcast %mul3A_28 : i32 to vector<16xi32>
      %mul3A_30 = arith.muli %add3A_27, %mul3A_29 : vector<16xi32>
      %shift_right_arithmetic3A = arith.constant 7 : i32
      %shift_right_arithmetic3A_31 = vector.broadcast %shift_right_arithmetic3A : i32 to vector<16xi32>
      %shift_right_arithmetic3A_32 = arith.shrsi %mul3A_30, %shift_right_arithmetic3A_31 : vector<16xi32>
      %swap3A = arith.constant 0 : index
      %swap3A_33 = tpu.vector_load %arg9[%swap3A] {strides = array<i32>} : memref<16xi32, #tpu.memory_space<vmem>>, vector<16xi32>,
      %swap3A_34 = vector.shape_cast %swap3A_33 : vector<16xi32> to vector<16xi32>
      %swap3A_35 = vector.shape_cast %shift_right_arithmetic3A_32 : vector<16xi32> to vector<16xi32>
      tpu.vector_store %arg9[%swap3A], %swap3A_35 {strides = array<i32>} : memref<16xi32, #tpu.memory_space<vmem>>, vector<16xi32>,
      %add3A_36 = arith.constant 1 : i32
      %add3A_37 = vector.broadcast %add3A_36 : i32 to vector<16xi32>
      %add3A_38 = arith.addi %shift_right_arithmetic3A_32, %add3A_37 : vector<16xi32>
      %min3A = arith.constant 65279 : i32
      %min3A_39 = vector.broadcast %min3A : i32 to vector<16xi32>
      %min3A_40 = arith.minsi %add3A_38, %min3A_39 : vector<16xi32>
      %swap3A_41 = arith.constant 0 : index
      %swap3A_42 = tpu.vector_load %arg10[%swap3A_41] {strides = array<i32>} : memref<16xi32, #tpu.memory_space<vmem>>, vector<16xi32>,
      %swap3A_43 = vector.shape_cast %swap3A_42 : vector<16xi32> to vector<16xi32>
      %swap3A_44 = vector.shape_cast %min3A_40 : vector<16xi32> to vector<16xi32>
      tpu.vector_store %arg10[%swap3A_41], %swap3A_44 {strides = array<i32>} : memref<16xi32, #tpu.memory_space<vmem>>, vector<16xi32>,
      %dma_start3A = arith.constant 0 : i32
      %dma_start3A_45 = arith.constant 0 : i32
      %dma_start3A_46 = tpu.memref_slice %arg6[%dma_start3A, %dma_start3A_45] : memref<65280x128xf32, #tpu.memory_space<hbm>> -> memref<65280x128xf32, #tpu.memory_space<hbm>>
      tpu.enqueue_indirect_dma source(%dma_start3A_46 : memref<65280x128xf32, #tpu.memory_space<hbm>>) target(%arg11 : memref<16x128xf32, #tpu.memory_space<vmem>>) offsets(%arg9 : memref<16xi32, #tpu.memory_space<vmem>>) semaphore(%arg13 : memref<!tpu.dma_semaphore, #tpu.memory_space<semaphore_mem>>)
      %dma_start3A_47 = arith.constant 0 : i32
      %dma_start3A_48 = arith.constant 0 : i32
      %dma_start3A_49 = tpu.memref_slice %arg6[%dma_start3A_47, %dma_start3A_48] : memref<65280x128xf32, #tpu.memory_space<hbm>> -> memref<65280x128xf32, #tpu.memory_space<hbm>>
      tpu.enqueue_indirect_dma source(%dma_start3A_49 : memref<65280x128xf32, #tpu.memory_space<hbm>>) target(%arg12 : memref<16x128xf32, #tpu.memory_space<vmem>>) offsets(%arg10 : memref<16xi32, #tpu.memory_space<vmem>>) semaphore(%arg13 : memref<!tpu.dma_semaphore, #tpu.memory_space<semaphore_mem>>)
      %dma_wait3A = arith.constant 0 : i32
      %dma_wait3A_50 = arith.constant 0 : i32
      %dma_wait3A_51 = tpu.memref_slice %arg6[%dma_wait3A, %dma_wait3A_50] : memref<65280x128xf32, #tpu.memory_space<hbm>> -> memref<65280x128xf32, #tpu.memory_space<hbm>>
      tpu.wait_indirect_dma semaphore(%arg13 : memref<!tpu.dma_semaphore, #tpu.memory_space<semaphore_mem>>) src(%dma_wait3A_51 : memref<65280x128xf32, #tpu.memory_space<hbm>>) dst(%arg11 : memref<16x128xf32, #tpu.memory_space<vmem>>)
      %dma_wait3A_52 = arith.constant 0 : i32
      %dma_wait3A_53 = arith.constant 0 : i32
      %dma_wait3A_54 = tpu.memref_slice %arg6[%dma_wait3A_52, %dma_wait3A_53] : memref<65280x128xf32, #tpu.memory_space<hbm>> -> memref<65280x128xf32, #tpu.memory_space<hbm>>
      tpu.wait_indirect_dma semaphore(%arg13 : memref<!tpu.dma_semaphore, #tpu.memory_space<semaphore_mem>>) src(%dma_wait3A_54 : memref<65280x128xf32, #tpu.memory_space<hbm>>) dst(%arg12 : memref<16x128xf32, #tpu.memory_space<vmem>>)
      "tpu.region"() ({
        %run_scoped3A = tpu.sem_alloc : memref<!tpu.dma_semaphore, #tpu.memory_space<semaphore_mem>>
        %dma_start3A_55 = arith.constant 0 : i32
        %dma_start3A_56 = tpu.memref_slice %arg7[%mul3A_4, %dma_start3A_55] : memref<128x256xf32, #tpu.memory_space<hbm>> -> memref<16x128xf32, #tpu.memory_space<hbm>>
        %dma_start3A_57 = arith.constant 0 : i32
        %dma_start3A_58 = tpu.memref_slice %arg7[%mul3A_4, %dma_start3A_57] : memref<128x256xf32, #tpu.memory_space<hbm>> -> memref<16x128xf32, #tpu.memory_space<hbm>>
        tpu.enqueue_dma source(%arg11 : memref<16x128xf32, #tpu.memory_space<vmem>>) target(%dma_start3A_58 : memref<16x128xf32, #tpu.memory_space<hbm>>) target_semaphore(%run_scoped3A : memref<!tpu.dma_semaphore, #tpu.memory_space<semaphore_mem>>)
        %dma_wait3A_59 = arith.constant 0 : i32
        %dma_wait3A_60 = tpu.memref_slice %arg7[%mul3A_4, %dma_wait3A_59] : memref<128x256xf32, #tpu.memory_space<hbm>> -> memref<16x128xf32, #tpu.memory_space<hbm>>
        %dma_wait3A_61 = arith.constant 0 : i32
        %dma_wait3A_62 = tpu.memref_slice %arg7[%mul3A_4, %dma_wait3A_61] : memref<128x256xf32, #tpu.memory_space<hbm>> -> memref<16x128xf32, #tpu.memory_space<hbm>>
        tpu.wait_dma2 semaphore(%run_scoped3A : memref<!tpu.dma_semaphore, #tpu.memory_space<semaphore_mem>>) src(%arg11 : memref<16x128xf32, #tpu.memory_space<vmem>>) dst(%dma_wait3A_62 : memref<16x128xf32, #tpu.memory_space<hbm>>)
        tpu.yield
      }) : () -> ()
      "tpu.region"() ({
        %run_scoped3A = tpu.sem_alloc : memref<!tpu.dma_semaphore, #tpu.memory_space<semaphore_mem>>
        %dma_start3A_55 = arith.constant 128 : i32
        %dma_start3A_56 = tpu.memref_slice %arg7[%mul3A_4, %dma_start3A_55] : memref<128x256xf32, #tpu.memory_space<hbm>> -> memref<16x128xf32, #tpu.memory_space<hbm>>
        %dma_start3A_57 = arith.constant 128 : i32
        %dma_start3A_58 = tpu.memref_slice %arg7[%mul3A_4, %dma_start3A_57] : memref<128x256xf32, #tpu.memory_space<hbm>> -> memref<16x128xf32, #tpu.memory_space<hbm>>
        tpu.enqueue_dma source(%arg12 : memref<16x128xf32, #tpu.memory_space<vmem>>) target(%dma_start3A_58 : memref<16x128xf32, #tpu.memory_space<hbm>>) target_semaphore(%run_scoped3A : memref<!tpu.dma_semaphore, #tpu.memory_space<semaphore_mem>>)
        %dma_wait3A_59 = arith.constant 128 : i32
        %dma_wait3A_60 = tpu.memref_slice %arg7[%mul3A_4, %dma_wait3A_59] : memref<128x256xf32, #tpu.memory_space<hbm>> -> memref<16x128xf32, #tpu.memory_space<hbm>>
        %dma_wait3A_61 = arith.constant 128 : i32
        %dma_wait3A_62 = tpu.memref_slice %arg7[%mul3A_4, %dma_wait3A_61] : memref<128x256xf32, #tpu.memory_space<hbm>> -> memref<16x128xf32, #tpu.memory_space<hbm>>
        tpu.wait_dma2 semaphore(%run_scoped3A : memref<!tpu.dma_semaphore, #tpu.memory_space<semaphore_mem>>) src(%arg12 : memref<16x128xf32, #tpu.memory_space<vmem>>) dst(%dma_wait3A_62 : memref<16x128xf32, #tpu.memory_space<hbm>>)
        tpu.yield
      }) : () -> ()
    } else {
    }
    return
  }
}

module attributes {stable_mosaic.version = 14 : i64} {
  func.func @_tc_dense_body(%arg0: i32, %arg1: memref<1x128xi32, #tpu.memory_space<vmem>>, %arg2: memref<128x1xi32, #tpu.memory_space<vmem>>, %arg3: memref<128x1xi32, #tpu.memory_space<vmem>>, %arg4: memref<128x4xf32, #tpu.memory_space<vmem>>, %arg5: memref<128x256xf32, #tpu.memory_space<vmem>>, %arg6: memref<65280x128xf32, #tpu.memory_space<any>>, %arg7: memref<1x1xf32, #tpu.memory_space<smem>>, %arg8: memref<2x5440x128xf32, #tpu.memory_space<vmem>>, %arg9: memref<5440x128xf32, #tpu.memory_space<vmem>>, %arg10: memref<1x1xf32, #tpu.memory_space<smem>>, %arg11: memref<2x!tpu.dma_semaphore, #tpu.memory_space<semaphore_mem>>) attributes {dimension_semantics = [#tpu.dimension_semantics<arbitrary>], iteration_bounds = array<i64: 12>, scalar_prefetch = 0 : i64, scratch_operands = 4 : i64, tpu.core_type = #tpu.core_type<tc>, window_params = [{pipeline_mode = #tpu.pipeline_mode<synchronous>, transform_indices = @transform_0, window_bounds = array<i64: 1, 128>}, {pipeline_mode = #tpu.pipeline_mode<synchronous>, transform_indices = @transform_1, window_bounds = array<i64: 128, 1>}, {pipeline_mode = #tpu.pipeline_mode<synchronous>, transform_indices = @transform_2, window_bounds = array<i64: 128, 1>}, {pipeline_mode = #tpu.pipeline_mode<synchronous>, transform_indices = @transform_3, window_bounds = array<i64: 128, 4>}, {pipeline_mode = #tpu.pipeline_mode<synchronous>, transform_indices = @transform_4, window_bounds = array<i64: 128, 256>}, {}, {transform_indices = @transform_6, window_bounds = array<i64: 1, 1>}]} {
    %eq3A = arith.constant 0 : i32
    %eq3A_0 = arith.cmpi eq, %arg0, %eq3A : i32
    %convert_element_type3A = arith.extui %eq3A_0 : i1 to i32
    %cond3A = arith.constant 0 : i32
    %cond3A_1 = arith.cmpi ne, %convert_element_type3A, %cond3A : i32
    scf.if %cond3A_1 {
      %swap3A_57 = arith.constant 0.000000e+00 : f32
      %swap3A_58 = arith.constant 0 : index
      %swap3A_59 = arith.constant 0 : index
      %swap3A_60 = memref.load %arg10[%swap3A_58, %swap3A_59] : memref<1x1xf32, #tpu.memory_space<smem>>
      memref.store %swap3A_57, %arg10[%swap3A_58, %swap3A_59] : memref<1x1xf32, #tpu.memory_space<smem>>
      %iota3A = tpu.iota {dimensions = array<i32: 0>} : vector<5440x128xi32>
      %iota3A_61 = tpu.iota {dimensions = array<i32: 1>} : vector<5440x128xi32>
      %mul3A_62 = arith.constant 128 : i32
      %mul3A_63 = vector.broadcast %mul3A_62 : i32 to vector<5440x128xi32>
      %mul3A_64 = arith.muli %iota3A, %mul3A_63 : vector<5440x128xi32>
      %add3A_65 = arith.addi %mul3A_64, %iota3A_61 : vector<5440x128xi32>
      %convert_element_type3A_66 = arith.sitofp %add3A_65 : vector<5440x128xi32> to vector<5440x128xf32>
      %mul3A_67 = arith.constant 0.0117647061 : f32
      %mul3A_68 = vector.broadcast %mul3A_67 : f32 to vector<5440x128xf32>
      %mul3A_69 = arith.mulf %convert_element_type3A_66, %mul3A_68 : vector<5440x128xf32>
      %floor3A = math.floor %mul3A_69 : vector<5440x128xf32>
      %mul3A_70 = arith.constant 8.500000e+01 : f32
      %mul3A_71 = vector.broadcast %mul3A_70 : f32 to vector<5440x128xf32>
      %mul3A_72 = arith.mulf %floor3A, %mul3A_71 : vector<5440x128xf32>
      %sub3A_73 = arith.subf %convert_element_type3A_66, %mul3A_72 : vector<5440x128xf32>
      %ge3A = arith.constant 8.500000e+01 : f32
      %ge3A_74 = vector.broadcast %ge3A : f32 to vector<5440x128xf32>
      %ge3A_75 = arith.cmpf oge, %sub3A_73, %ge3A_74 : vector<5440x128xf32>
      %sub3A_76 = arith.constant 8.500000e+01 : f32
      %sub3A_77 = vector.broadcast %sub3A_76 : f32 to vector<5440x128xf32>
      %sub3A_78 = arith.subf %sub3A_73, %sub3A_77 : vector<5440x128xf32>
      %select_n3A_79 = arith.select %ge3A_75, %sub3A_78, %sub3A_73 : vector<5440x128xi1>, vector<5440x128xf32>
      %lt3A_80 = arith.constant 0.000000e+00 : f32
      %lt3A_81 = vector.broadcast %lt3A_80 : f32 to vector<5440x128xf32>
      %lt3A_82 = arith.cmpf olt, %select_n3A_79, %lt3A_81 : vector<5440x128xf32>
      %add3A_83 = arith.constant 8.500000e+01 : f32
      %add3A_84 = vector.broadcast %add3A_83 : f32 to vector<5440x128xf32>
      %add3A_85 = arith.addf %select_n3A_79, %add3A_84 : vector<5440x128xf32>
      %select_n3A_86 = arith.select %lt3A_82, %add3A_85, %select_n3A_79 : vector<5440x128xi1>, vector<5440x128xf32>
      %eq3A_87 = arith.constant 4.000000e+00 : f32
      %eq3A_88 = vector.broadcast %eq3A_87 : f32 to vector<5440x128xf32>
      %eq3A_89 = arith.cmpf oeq, %select_n3A_86, %eq3A_88 : vector<5440x128xf32>
      %jit3A_90 = arith.constant 1.000000e+00 : f32
      %jit3A_91 = arith.constant 0.000000e+00 : f32
      %broadcast_in_dim3A = vector.broadcast %jit3A_90 : f32 to vector<5440x128xf32>
      %broadcast_in_dim3A_92 = vector.broadcast %jit3A_91 : f32 to vector<5440x128xf32>
      %select_n3A_93 = arith.select %eq3A_89, %broadcast_in_dim3A, %broadcast_in_dim3A_92 : vector<5440x128xi1>, vector<5440x128xf32>
      %swap3A_94 = arith.constant 0 : index
      %swap3A_95 = arith.constant 0 : index
      %swap3A_96 = vector.load %arg9[%swap3A_94, %swap3A_95] : memref<5440x128xf32, #tpu.memory_space<vmem>>, vector<5440x128xf32>
      tpu.vector_store %arg9[%swap3A_94, %swap3A_95], %select_n3A_93 {strides = array<i32>} : memref<5440x128xf32, #tpu.memory_space<vmem>>, vector<5440x128xf32>,
      %dma_start3A = arith.constant 0 : i32
      %dma_start3A_97 = arith.constant 0 : i32
      %dma_start3A_98 = tpu.memref_slice %arg11[%dma_start3A_97] : memref<2x!tpu.dma_semaphore, #tpu.memory_space<semaphore_mem>> -> memref<1x!tpu.dma_semaphore, #tpu.memory_space<semaphore_mem>>
      %dma_start3A_99 = tpu.memref_squeeze %dma_start3A_98 : memref<1x!tpu.dma_semaphore, #tpu.memory_space<semaphore_mem>> -> memref<!tpu.dma_semaphore, #tpu.memory_space<semaphore_mem>>
      %dma_start3A_100 = arith.constant 0 : i32
      %dma_start3A_101 = arith.constant 0 : i32
      %dma_start3A_102 = tpu.memref_slice %arg8[%dma_start3A, %dma_start3A_100, %dma_start3A_101] : memref<2x5440x128xf32, #tpu.memory_space<vmem>> -> memref<1x5440x128xf32, #tpu.memory_space<vmem>>
      %dma_start3A_103 = tpu.memref_squeeze %dma_start3A_102 : memref<1x5440x128xf32, #tpu.memory_space<vmem>> -> memref<5440x128xf32, #tpu.memory_space<vmem>>
      %dma_start3A_104 = arith.constant 0 : i32
      %dma_start3A_105 = arith.constant 0 : i32
      %dma_start3A_106 = tpu.memref_slice %arg6[%dma_start3A_104, %dma_start3A_105] : memref<65280x128xf32, #tpu.memory_space<any>> -> memref<5440x128xf32, #tpu.memory_space<any>>
      tpu.enqueue_dma source(%dma_start3A_106 : memref<5440x128xf32, #tpu.memory_space<any>>) target(%dma_start3A_103 : memref<5440x128xf32, #tpu.memory_space<vmem>>) target_semaphore(%dma_start3A_99 : memref<!tpu.dma_semaphore, #tpu.memory_space<semaphore_mem>>)
    } else {
    }
    %add3A = arith.constant 1 : i32
    %add3A_2 = arith.addi %arg0, %add3A : i32
    %lt3A = arith.constant 12 : i32
    %lt3A_3 = arith.cmpi slt, %add3A_2, %lt3A : i32
    %convert_element_type3A_4 = arith.extui %lt3A_3 : i1 to i32
    %cond3A_5 = arith.constant 0 : i32
    %cond3A_6 = arith.cmpi ne, %convert_element_type3A_4, %cond3A_5 : i32
    scf.if %cond3A_6 {
      %add3A_57 = arith.constant 1 : i32
      %add3A_58 = arith.addi %arg0, %add3A_57 : i32
      %add3A_59 = arith.constant 1 : i32
      %add3A_60 = arith.addi %arg0, %add3A_59 : i32
      %jit3A_61 = arith.constant 2 : i32
      %eq3A_62 = arith.constant 0 : i32
      %eq3A_63 = arith.cmpi eq, %jit3A_61, %eq3A_62 : i32
      %jit3A_64 = arith.constant 1 : i32
      %select_n3A_65 = arith.select %eq3A_63, %jit3A_64, %jit3A_61 : i32
      %rem3A_66 = arith.remsi %add3A_60, %select_n3A_65 : i32
      %ne3A_67 = arith.constant 0 : i32
      %ne3A_68 = arith.cmpi ne, %rem3A_66, %ne3A_67 : i32
      %lt3A_69 = arith.constant 0 : i32
      %lt3A_70 = arith.cmpi slt, %rem3A_66, %lt3A_69 : i32
      %lt3A_71 = arith.constant 0 : i32
      %lt3A_72 = arith.cmpi slt, %select_n3A_65, %lt3A_71 : i32
      %ne3A_73 = arith.xori %lt3A_70, %lt3A_72 : i1
      %and3A_74 = arith.andi %ne3A_73, %ne3A_68 : i1
      %add3A_75 = arith.addi %rem3A_66, %select_n3A_65 : i32
      %select_n3A_76 = arith.select %and3A_74, %add3A_75, %rem3A_66 : i32
      %mul3A_77 = arith.constant 5440 : i32
      %mul3A_78 = arith.muli %add3A_58, %mul3A_77 : i32
      %dma_start3A = tpu.memref_slice %arg11[%select_n3A_76] : memref<2x!tpu.dma_semaphore, #tpu.memory_space<semaphore_mem>> -> memref<1x!tpu.dma_semaphore, #tpu.memory_space<semaphore_mem>>
      %dma_start3A_79 = tpu.memref_squeeze %dma_start3A : memref<1x!tpu.dma_semaphore, #tpu.memory_space<semaphore_mem>> -> memref<!tpu.dma_semaphore, #tpu.memory_space<semaphore_mem>>
      %dma_start3A_80 = arith.constant 0 : i32
      %dma_start3A_81 = arith.constant 0 : i32
      %dma_start3A_82 = tpu.memref_slice %arg8[%select_n3A_76, %dma_start3A_80, %dma_start3A_81] : memref<2x5440x128xf32, #tpu.memory_space<vmem>> -> memref<1x5440x128xf32, #tpu.memory_space<vmem>>
      %dma_start3A_83 = tpu.memref_squeeze %dma_start3A_82 : memref<1x5440x128xf32, #tpu.memory_space<vmem>> -> memref<5440x128xf32, #tpu.memory_space<vmem>>
      %dma_start3A_84 = arith.constant 0 : i32
      %dma_start3A_85 = tpu.memref_slice %arg6[%mul3A_78, %dma_start3A_84] : memref<65280x128xf32, #tpu.memory_space<any>> -> memref<5440x128xf32, #tpu.memory_space<any>>
      tpu.enqueue_dma source(%dma_start3A_85 : memref<5440x128xf32, #tpu.memory_space<any>>) target(%dma_start3A_83 : memref<5440x128xf32, #tpu.memory_space<vmem>>) target_semaphore(%dma_start3A_79 : memref<!tpu.dma_semaphore, #tpu.memory_space<semaphore_mem>>)
    } else {
    }
    %jit3A = arith.constant 2 : i32
    %eq3A_7 = arith.constant 0 : i32
    %eq3A_8 = arith.cmpi eq, %jit3A, %eq3A_7 : i32
    %jit3A_9 = arith.constant 1 : i32
    %select_n3A = arith.select %eq3A_8, %jit3A_9, %jit3A : i32
    %rem3A = arith.remsi %arg0, %select_n3A : i32
    %ne3A = arith.constant 0 : i32
    %ne3A_10 = arith.cmpi ne, %rem3A, %ne3A : i32
    %lt3A_11 = arith.constant 0 : i32
    %lt3A_12 = arith.cmpi slt, %rem3A, %lt3A_11 : i32
    %lt3A_13 = arith.constant 0 : i32
    %lt3A_14 = arith.cmpi slt, %select_n3A, %lt3A_13 : i32
    %ne3A_15 = arith.xori %lt3A_12, %lt3A_14 : i1
    %and3A = arith.andi %ne3A_15, %ne3A_10 : i1
    %add3A_16 = arith.addi %rem3A, %select_n3A : i32
    %select_n3A_17 = arith.select %and3A, %add3A_16, %rem3A : i32
    %mul3A = arith.constant 5440 : i32
    %mul3A_18 = arith.muli %arg0, %mul3A : i32
    %dma_wait3A = tpu.memref_slice %arg11[%select_n3A_17] : memref<2x!tpu.dma_semaphore, #tpu.memory_space<semaphore_mem>> -> memref<1x!tpu.dma_semaphore, #tpu.memory_space<semaphore_mem>>
    %dma_wait3A_19 = tpu.memref_squeeze %dma_wait3A : memref<1x!tpu.dma_semaphore, #tpu.memory_space<semaphore_mem>> -> memref<!tpu.dma_semaphore, #tpu.memory_space<semaphore_mem>>
    %dma_wait3A_20 = arith.constant 0 : i32
    %dma_wait3A_21 = arith.constant 0 : i32
    %dma_wait3A_22 = tpu.memref_slice %arg8[%select_n3A_17, %dma_wait3A_20, %dma_wait3A_21] : memref<2x5440x128xf32, #tpu.memory_space<vmem>> -> memref<1x5440x128xf32, #tpu.memory_space<vmem>>
    %dma_wait3A_23 = tpu.memref_squeeze %dma_wait3A_22 : memref<1x5440x128xf32, #tpu.memory_space<vmem>> -> memref<5440x128xf32, #tpu.memory_space<vmem>>
    %dma_wait3A_24 = arith.constant 0 : i32
    %dma_wait3A_25 = tpu.memref_slice %arg6[%mul3A_18, %dma_wait3A_24] : memref<65280x128xf32, #tpu.memory_space<any>> -> memref<5440x128xf32, #tpu.memory_space<any>>
    tpu.wait_dma2 semaphore(%dma_wait3A_19 : memref<!tpu.dma_semaphore, #tpu.memory_space<semaphore_mem>>) src(%dma_wait3A_25 : memref<5440x128xf32, #tpu.memory_space<any>>) dst(%dma_wait3A_23 : memref<5440x128xf32, #tpu.memory_space<vmem>>)
    %get3A = arith.index_cast %select_n3A_17 : i32 to index
    %get3A_26 = arith.constant 0 : index
    %get3A_27 = arith.constant 0 : index
    %get3A_28 = vector.load %arg8[%get3A, %get3A_26, %get3A_27] : memref<2x5440x128xf32, #tpu.memory_space<vmem>>, vector<1x5440x128xf32>
    %get3A_29 = vector.shape_cast %get3A_28 : vector<1x5440x128xf32> to vector<5440x128xf32>
    %jit3A_30 = arith.constant 1.000000e-07 : f32
    %jit3A_31 = arith.constant 0.99999988 : f32
    %max3A = vector.broadcast %jit3A_30 : f32 to vector<5440x128xf32>
    %max3A_32 = arith.maximumf %max3A, %get3A_29 : vector<5440x128xf32>
    %min3A = vector.broadcast %jit3A_31 : f32 to vector<5440x128xf32>
    %min3A_33 = arith.minimumf %min3A, %max3A_32 : vector<5440x128xf32>
    %get3A_34 = arith.constant 0 : index
    %get3A_35 = arith.constant 0 : index
    %get3A_36 = memref.load %arg10[%get3A_34, %get3A_35] : memref<1x1xf32, #tpu.memory_space<smem>>
    %get3A_37 = arith.constant 0 : index
    %get3A_38 = arith.constant 0 : index
    %get3A_39 = vector.load %arg9[%get3A_37, %get3A_38] : memref<5440x128xf32, #tpu.memory_space<vmem>>, vector<5440x128xf32>
    %sub3A = arith.constant 1.000000e+00 : f32
    %sub3A_40 = vector.broadcast %sub3A : f32 to vector<5440x128xf32>
    %sub3A_41 = arith.subf %sub3A_40, %min3A_33 : vector<5440x128xf32>
    %log3A = math.log %sub3A_41 : vector<5440x128xf32>
    %neg3A = arith.constant 0.000000e+00 : f32
    %neg3A_42 = vector.broadcast %neg3A : f32 to vector<5440x128xf32>
    %neg3A_43 = arith.subf %neg3A_42, %log3A : vector<5440x128xf32>
    %mul3A_44 = arith.mulf %get3A_39, %neg3A_43 : vector<5440x128xf32>
    %reduce_sum3A = vector.shape_cast %mul3A_44 : vector<5440x128xf32> to vector<1x5440x128xf32>
    %reduce_sum3A_45 = arith.constant dense<0.000000e+00> : vector<1xf32>
    %reduce_sum3A_46 = vector.multi_reduction <add>, %reduce_sum3A, %reduce_sum3A_45 [1, 2] : vector<1x5440x128xf32> to vector<1xf32>
    %reduce_sum3A_47 = vector.shape_cast %reduce_sum3A_46 : vector<1xf32> to vector<1x1x1xf32>
    %reduce_sum3A_48 = vector.extract %reduce_sum3A_47[0, 0, 0] : f32 from vector<1x1x1xf32>
    %add3A_49 = arith.addf %get3A_36, %reduce_sum3A_48 : f32
    %swap3A = arith.constant 0 : index
    %swap3A_50 = arith.constant 0 : index
    %swap3A_51 = memref.load %arg10[%swap3A, %swap3A_50] : memref<1x1xf32, #tpu.memory_space<smem>>
    memref.store %add3A_49, %arg10[%swap3A, %swap3A_50] : memref<1x1xf32, #tpu.memory_space<smem>>
    %eq3A_52 = arith.constant 11 : i32
    %eq3A_53 = arith.cmpi eq, %arg0, %eq3A_52 : i32
    %convert_element_type3A_54 = arith.extui %eq3A_53 : i1 to i32
    %cond3A_55 = arith.constant 0 : i32
    %cond3A_56 = arith.cmpi ne, %convert_element_type3A_54, %cond3A_55 : i32
    scf.if %cond3A_56 {
      %get3A_57 = arith.constant 0 : index
      %get3A_58 = arith.constant 0 : index
      %get3A_59 = vector.load %arg5[%get3A_57, %get3A_58] : memref<128x256xf32, #tpu.memory_space<vmem>>, vector<128x256xf32>
      %get3A_60 = arith.constant 0 : index
      %get3A_61 = arith.constant 0 : index
      %get3A_62 = vector.load %arg2[%get3A_60, %get3A_61] : memref<128x1xi32, #tpu.memory_space<vmem>>, vector<128x1xi32>
      %mul3A_63 = arith.constant 85 : i32
      %mul3A_64 = vector.broadcast %mul3A_63 : i32 to vector<128x1xi32>
      %mul3A_65 = arith.muli %get3A_62, %mul3A_64 : vector<128x1xi32>
      %and3A_66 = arith.constant 127 : i32
      %and3A_67 = vector.broadcast %and3A_66 : i32 to vector<128x1xi32>
      %and3A_68 = arith.andi %mul3A_65, %and3A_67 : vector<128x1xi32>
      %iota3A = tpu.iota {dimensions = array<i32: 1>} : vector<128x256xi32>
      %sub3A_69 = vector.broadcast %and3A_68 : vector<128x1xi32> to vector<128x256xi32>
      %sub3A_70 = arith.subi %iota3A, %sub3A_69 : vector<128x256xi32>
      %get3A_71 = arith.constant 0 : index
      %get3A_72 = arith.constant 0 : index
      %get3A_73 = vector.load %arg4[%get3A_71, %get3A_72] : memref<128x4xf32, #tpu.memory_space<vmem>>, vector<128x4xf32>
      %eq3A_74 = arith.constant 0 : i32
      %eq3A_75 = vector.broadcast %eq3A_74 : i32 to vector<128x256xi32>
      %eq3A_76 = arith.cmpi eq, %sub3A_70, %eq3A_75 : vector<128x256xi32>
      %jit3A_77 = arith.constant 0.000000e+00 : f32
      %broadcast_in_dim3A = vector.broadcast %jit3A_77 : f32 to vector<128x256xf32>
      %select_n3A_78 = arith.select %eq3A_76, %get3A_59, %broadcast_in_dim3A : vector<128x256xi1>, vector<128x256xf32>
      %reduce_sum3A_79 = arith.constant dense<0.000000e+00> : vector<128xf32>
      %reduce_sum3A_80 = vector.multi_reduction <add>, %select_n3A_78, %reduce_sum3A_79 [1] : vector<128x256xf32> to vector<128xf32>
      %broadcast_in_dim3A_81 = vector.shape_cast %reduce_sum3A_80 : vector<128xf32> to vector<128x1xf32>
      %eq3A_82 = arith.constant 1 : i32
      %eq3A_83 = vector.broadcast %eq3A_82 : i32 to vector<128x256xi32>
      %eq3A_84 = arith.cmpi eq, %sub3A_70, %eq3A_83 : vector<128x256xi32>
      %jit3A_85 = arith.constant 0.000000e+00 : f32
      %broadcast_in_dim3A_86 = vector.broadcast %jit3A_85 : f32 to vector<128x256xf32>
      %select_n3A_87 = arith.select %eq3A_84, %get3A_59, %broadcast_in_dim3A_86 : vector<128x256xi1>, vector<128x256xf32>
      %reduce_sum3A_88 = arith.constant dense<0.000000e+00> : vector<128xf32>
      %reduce_sum3A_89 = vector.multi_reduction <add>, %select_n3A_87, %reduce_sum3A_88 [1] : vector<128x256xf32> to vector<128xf32>
      %broadcast_in_dim3A_90 = vector.shape_cast %reduce_sum3A_89 : vector<128xf32> to vector<128x1xf32>
      %eq3A_91 = arith.constant 2 : i32
      %eq3A_92 = vector.broadcast %eq3A_91 : i32 to vector<128x256xi32>
      %eq3A_93 = arith.cmpi eq, %sub3A_70, %eq3A_92 : vector<128x256xi32>
      %jit3A_94 = arith.constant 0.000000e+00 : f32
      %broadcast_in_dim3A_95 = vector.broadcast %jit3A_94 : f32 to vector<128x256xf32>
      %select_n3A_96 = arith.select %eq3A_93, %get3A_59, %broadcast_in_dim3A_95 : vector<128x256xi1>, vector<128x256xf32>
      %reduce_sum3A_97 = arith.constant dense<0.000000e+00> : vector<128xf32>
      %reduce_sum3A_98 = vector.multi_reduction <add>, %select_n3A_96, %reduce_sum3A_97 [1] : vector<128x256xf32> to vector<128xf32>
      %broadcast_in_dim3A_99 = vector.shape_cast %reduce_sum3A_98 : vector<128xf32> to vector<128x1xf32>
      %eq3A_100 = arith.constant 3 : i32
      %eq3A_101 = vector.broadcast %eq3A_100 : i32 to vector<128x256xi32>
      %eq3A_102 = arith.cmpi eq, %sub3A_70, %eq3A_101 : vector<128x256xi32>
      %jit3A_103 = arith.constant 0.000000e+00 : f32
      %broadcast_in_dim3A_104 = vector.broadcast %jit3A_103 : f32 to vector<128x256xf32>
      %select_n3A_105 = arith.select %eq3A_102, %get3A_59, %broadcast_in_dim3A_104 : vector<128x256xi1>, vector<128x256xf32>
      %reduce_sum3A_106 = arith.constant dense<0.000000e+00> : vector<128xf32>
      %reduce_sum3A_107 = vector.multi_reduction <add>, %select_n3A_105, %reduce_sum3A_106 [1] : vector<128x256xf32> to vector<128xf32>
      %broadcast_in_dim3A_108 = vector.shape_cast %reduce_sum3A_107 : vector<128xf32> to vector<128x1xf32>
      %slice3A = vector.extract_strided_slice %get3A_73 {offsets = [0, 0], sizes = [128, 1], strides = [1, 1]} : vector<128x4xf32> to vector<128x1xf32>
      %slice3A_109 = vector.extract_strided_slice %get3A_73 {offsets = [0, 1], sizes = [128, 1], strides = [1, 1]} : vector<128x4xf32> to vector<128x1xf32>
      %slice3A_110 = vector.extract_strided_slice %get3A_73 {offsets = [0, 2], sizes = [128, 1], strides = [1, 1]} : vector<128x4xf32> to vector<128x1xf32>
      %slice3A_111 = vector.extract_strided_slice %get3A_73 {offsets = [0, 3], sizes = [128, 1], strides = [1, 1]} : vector<128x4xf32> to vector<128x1xf32>
      %div3A = arith.constant 2.000000e+00 : f32
      %div3A_112 = vector.broadcast %div3A : f32 to vector<128x1xf32>
      %div3A_113 = arith.divf %broadcast_in_dim3A_99, %div3A_112 : vector<128x1xf32>
      %sub3A_114 = arith.subf %broadcast_in_dim3A_81, %div3A_113 : vector<128x1xf32>
      %div3A_115 = arith.constant 2.000000e+00 : f32
      %div3A_116 = vector.broadcast %div3A_115 : f32 to vector<128x1xf32>
      %div3A_117 = arith.divf %broadcast_in_dim3A_108, %div3A_116 : vector<128x1xf32>
      %sub3A_118 = arith.subf %broadcast_in_dim3A_90, %div3A_117 : vector<128x1xf32>
      %div3A_119 = arith.constant 2.000000e+00 : f32
      %div3A_120 = vector.broadcast %div3A_119 : f32 to vector<128x1xf32>
      %div3A_121 = arith.divf %broadcast_in_dim3A_99, %div3A_120 : vector<128x1xf32>
      %add3A_122 = arith.addf %broadcast_in_dim3A_81, %div3A_121 : vector<128x1xf32>
      %div3A_123 = arith.constant 2.000000e+00 : f32
      %div3A_124 = vector.broadcast %div3A_123 : f32 to vector<128x1xf32>
      %div3A_125 = arith.divf %broadcast_in_dim3A_108, %div3A_124 : vector<128x1xf32>
      %add3A_126 = arith.addf %broadcast_in_dim3A_90, %div3A_125 : vector<128x1xf32>
      %div3A_127 = arith.constant 2.000000e+00 : f32
      %div3A_128 = vector.broadcast %div3A_127 : f32 to vector<128x1xf32>
      %div3A_129 = arith.divf %slice3A_110, %div3A_128 : vector<128x1xf32>
      %sub3A_130 = arith.subf %slice3A, %div3A_129 : vector<128x1xf32>
      %div3A_131 = arith.constant 2.000000e+00 : f32
      %div3A_132 = vector.broadcast %div3A_131 : f32 to vector<128x1xf32>
      %div3A_133 = arith.divf %slice3A_111, %div3A_132 : vector<128x1xf32>
      %sub3A_134 = arith.subf %slice3A_109, %div3A_133 : vector<128x1xf32>
      %div3A_135 = arith.constant 2.000000e+00 : f32
      %div3A_136 = vector.broadcast %div3A_135 : f32 to vector<128x1xf32>
      %div3A_137 = arith.divf %slice3A_110, %div3A_136 : vector<128x1xf32>
      %add3A_138 = arith.addf %slice3A, %div3A_137 : vector<128x1xf32>
      %div3A_139 = arith.constant 2.000000e+00 : f32
      %div3A_140 = vector.broadcast %div3A_139 : f32 to vector<128x1xf32>
      %div3A_141 = arith.divf %slice3A_111, %div3A_140 : vector<128x1xf32>
      %add3A_142 = arith.addf %slice3A_109, %div3A_141 : vector<128x1xf32>
      %min3A_143 = arith.minimumf %add3A_122, %add3A_138 : vector<128x1xf32>
      %max3A_144 = arith.maximumf %sub3A_114, %sub3A_130 : vector<128x1xf32>
      %sub3A_145 = arith.subf %min3A_143, %max3A_144 : vector<128x1xf32>
      %max3A_146 = arith.constant 0.000000e+00 : f32
      %max3A_147 = vector.broadcast %max3A_146 : f32 to vector<128x1xf32>
      %max3A_148 = arith.maximumf %sub3A_145, %max3A_147 : vector<128x1xf32>
      %min3A_149 = arith.minimumf %add3A_126, %add3A_142 : vector<128x1xf32>
      %max3A_150 = arith.maximumf %sub3A_118, %sub3A_134 : vector<128x1xf32>
      %sub3A_151 = arith.subf %min3A_149, %max3A_150 : vector<128x1xf32>
      %max3A_152 = arith.constant 0.000000e+00 : f32
      %max3A_153 = vector.broadcast %max3A_152 : f32 to vector<128x1xf32>
      %max3A_154 = arith.maximumf %sub3A_151, %max3A_153 : vector<128x1xf32>
      %mul3A_155 = arith.mulf %max3A_148, %max3A_154 : vector<128x1xf32>
      %mul3A_156 = arith.mulf %broadcast_in_dim3A_99, %broadcast_in_dim3A_108 : vector<128x1xf32>
      %mul3A_157 = arith.mulf %slice3A_110, %slice3A_111 : vector<128x1xf32>
      %add3A_158 = arith.addf %mul3A_156, %mul3A_157 : vector<128x1xf32>
      %sub3A_159 = arith.subf %add3A_158, %mul3A_155 : vector<128x1xf32>
      %add3A_160 = arith.constant 1.000000e-07 : f32
      %add3A_161 = vector.broadcast %add3A_160 : f32 to vector<128x1xf32>
      %add3A_162 = arith.addf %sub3A_159, %add3A_161 : vector<128x1xf32>
      %div3A_163 = arith.divf %mul3A_155, %add3A_162 : vector<128x1xf32>
      %max3A_164 = arith.maximumf %add3A_122, %add3A_138 : vector<128x1xf32>
      %min3A_165 = arith.minimumf %sub3A_114, %sub3A_130 : vector<128x1xf32>
      %sub3A_166 = arith.subf %max3A_164, %min3A_165 : vector<128x1xf32>
      %max3A_167 = arith.maximumf %add3A_126, %add3A_142 : vector<128x1xf32>
      %min3A_168 = arith.minimumf %sub3A_118, %sub3A_134 : vector<128x1xf32>
      %sub3A_169 = arith.subf %max3A_167, %min3A_168 : vector<128x1xf32>
      %mul3A_170 = arith.mulf %sub3A_166, %sub3A_166 : vector<128x1xf32>
      %mul3A_171 = arith.mulf %sub3A_169, %sub3A_169 : vector<128x1xf32>
      %add3A_172 = arith.addf %mul3A_170, %mul3A_171 : vector<128x1xf32>
      %add3A_173 = arith.constant 1.000000e-07 : f32
      %add3A_174 = vector.broadcast %add3A_173 : f32 to vector<128x1xf32>
      %add3A_175 = arith.addf %add3A_172, %add3A_174 : vector<128x1xf32>
      %sub3A_176 = arith.subf %broadcast_in_dim3A_81, %slice3A : vector<128x1xf32>
      %integer_pow3A = arith.mulf %sub3A_176, %sub3A_176 : vector<128x1xf32>
      %sub3A_177 = arith.subf %broadcast_in_dim3A_90, %slice3A_109 : vector<128x1xf32>
      %integer_pow3A_178 = arith.mulf %sub3A_177, %sub3A_177 : vector<128x1xf32>
      %add3A_179 = arith.addf %integer_pow3A, %integer_pow3A_178 : vector<128x1xf32>
      %div3A_180 = arith.divf %add3A_179, %add3A_175 : vector<128x1xf32>
      %add3A_181 = arith.constant 1.000000e-07 : f32
      %add3A_182 = vector.broadcast %add3A_181 : f32 to vector<128x1xf32>
      %add3A_183 = arith.addf %broadcast_in_dim3A_108, %add3A_182 : vector<128x1xf32>
      %div3A_184 = arith.divf %broadcast_in_dim3A_99, %add3A_183 : vector<128x1xf32>
      %gt3A = arith.constant 1.000000e+00 : f32
      %gt3A_185 = vector.broadcast %gt3A : f32 to vector<128x1xf32>
      %gt3A_186 = arith.cmpf ogt, %div3A_184, %gt3A_185 : vector<128x1xf32>
      %max3A_187 = arith.constant 1.000000e+00 : f32
      %max3A_188 = vector.broadcast %max3A_187 : f32 to vector<128x1xf32>
      %max3A_189 = arith.maximumf %div3A_184, %max3A_188 : vector<128x1xf32>
      %div3A_190 = arith.constant 1.000000e+00 : f32
      %div3A_191 = vector.broadcast %div3A_190 : f32 to vector<128x1xf32>
      %div3A_192 = arith.divf %div3A_191, %max3A_189 : vector<128x1xf32>
      %select_n3A_193 = arith.select %gt3A_186, %div3A_192, %div3A_184 : vector<128x1xi1>, vector<128x1xf32>
      %mul3A_194 = arith.mulf %select_n3A_193, %select_n3A_193 : vector<128x1xf32>
      %broadcast_in_dim3A_195 = arith.constant 0.00840877555 : f32
      %broadcast_in_dim3A_196 = vector.broadcast %broadcast_in_dim3A_195 : f32 to vector<128x1xf32>
      %mul3A_197 = arith.mulf %broadcast_in_dim3A_196, %mul3A_194 : vector<128x1xf32>
      %add3A_198 = arith.constant -0.0385361165 : f32
      %add3A_199 = vector.broadcast %add3A_198 : f32 to vector<128x1xf32>
      %add3A_200 = arith.addf %mul3A_197, %add3A_199 : vector<128x1xf32>
      %mul3A_201 = arith.mulf %add3A_200, %mul3A_194 : vector<128x1xf32>
      %add3A_202 = arith.constant 0.0854534879 : f32
      %add3A_203 = vector.broadcast %add3A_202 : f32 to vector<128x1xf32>
      %add3A_204 = arith.addf %mul3A_201, %add3A_203 : vector<128x1xf32>
      %mul3A_205 = arith.mulf %add3A_204, %mul3A_194 : vector<128x1xf32>
      %add3A_206 = arith.constant -0.13562201 : f32
      %add3A_207 = vector.broadcast %add3A_206 : f32 to vector<128x1xf32>
      %add3A_208 = arith.addf %mul3A_205, %add3A_207 : vector<128x1xf32>
      %mul3A_209 = arith.mulf %add3A_208, %mul3A_194 : vector<128x1xf32>
      %add3A_210 = arith.constant 0.198973507 : f32
      %add3A_211 = vector.broadcast %add3A_210 : f32 to vector<128x1xf32>
      %add3A_212 = arith.addf %mul3A_209, %add3A_211 : vector<128x1xf32>
      %mul3A_213 = arith.mulf %add3A_212, %mul3A_194 : vector<128x1xf32>
      %add3A_214 = arith.constant -0.333277225 : f32
      %add3A_215 = vector.broadcast %add3A_214 : f32 to vector<128x1xf32>
      %add3A_216 = arith.addf %mul3A_213, %add3A_215 : vector<128x1xf32>
      %mul3A_217 = arith.mulf %add3A_216, %mul3A_194 : vector<128x1xf32>
      %add3A_218 = arith.constant 0.999999463 : f32
      %add3A_219 = vector.broadcast %add3A_218 : f32 to vector<128x1xf32>
      %add3A_220 = arith.addf %mul3A_217, %add3A_219 : vector<128x1xf32>
      %mul3A_221 = arith.mulf %select_n3A_193, %add3A_220 : vector<128x1xf32>
      %gt3A_222 = arith.constant 1.000000e+00 : f32
      %gt3A_223 = vector.broadcast %gt3A_222 : f32 to vector<128x1xf32>
      %gt3A_224 = arith.cmpf ogt, %div3A_184, %gt3A_223 : vector<128x1xf32>
      %sub3A_225 = arith.constant 1.57079637 : f32
      %sub3A_226 = vector.broadcast %sub3A_225 : f32 to vector<128x1xf32>
      %sub3A_227 = arith.subf %sub3A_226, %mul3A_221 : vector<128x1xf32>
      %select_n3A_228 = arith.select %gt3A_224, %sub3A_227, %mul3A_221 : vector<128x1xi1>, vector<128x1xf32>
      %add3A_229 = arith.constant 1.000000e-07 : f32
      %add3A_230 = vector.broadcast %add3A_229 : f32 to vector<128x1xf32>
      %add3A_231 = arith.addf %slice3A_111, %add3A_230 : vector<128x1xf32>
      %div3A_232 = arith.divf %slice3A_110, %add3A_231 : vector<128x1xf32>
      %gt3A_233 = arith.constant 1.000000e+00 : f32
      %gt3A_234 = vector.broadcast %gt3A_233 : f32 to vector<128x1xf32>
      %gt3A_235 = arith.cmpf ogt, %div3A_232, %gt3A_234 : vector<128x1xf32>
      %max3A_236 = arith.constant 1.000000e+00 : f32
      %max3A_237 = vector.broadcast %max3A_236 : f32 to vector<128x1xf32>
      %max3A_238 = arith.maximumf %div3A_232, %max3A_237 : vector<128x1xf32>
      %div3A_239 = arith.constant 1.000000e+00 : f32
      %div3A_240 = vector.broadcast %div3A_239 : f32 to vector<128x1xf32>
      %div3A_241 = arith.divf %div3A_240, %max3A_238 : vector<128x1xf32>
      %select_n3A_242 = arith.select %gt3A_235, %div3A_241, %div3A_232 : vector<128x1xi1>, vector<128x1xf32>
      %mul3A_243 = arith.mulf %select_n3A_242, %select_n3A_242 : vector<128x1xf32>
      %broadcast_in_dim3A_244 = arith.constant 0.00840877555 : f32
      %broadcast_in_dim3A_245 = vector.broadcast %broadcast_in_dim3A_244 : f32 to vector<128x1xf32>
      %mul3A_246 = arith.mulf %broadcast_in_dim3A_245, %mul3A_243 : vector<128x1xf32>
      %add3A_247 = arith.constant -0.0385361165 : f32
      %add3A_248 = vector.broadcast %add3A_247 : f32 to vector<128x1xf32>
      %add3A_249 = arith.addf %mul3A_246, %add3A_248 : vector<128x1xf32>
      %mul3A_250 = arith.mulf %add3A_249, %mul3A_243 : vector<128x1xf32>
      %add3A_251 = arith.constant 0.0854534879 : f32
      %add3A_252 = vector.broadcast %add3A_251 : f32 to vector<128x1xf32>
      %add3A_253 = arith.addf %mul3A_250, %add3A_252 : vector<128x1xf32>
      %mul3A_254 = arith.mulf %add3A_253, %mul3A_243 : vector<128x1xf32>
      %add3A_255 = arith.constant -0.13562201 : f32
      %add3A_256 = vector.broadcast %add3A_255 : f32 to vector<128x1xf32>
      %add3A_257 = arith.addf %mul3A_254, %add3A_256 : vector<128x1xf32>
      %mul3A_258 = arith.mulf %add3A_257, %mul3A_243 : vector<128x1xf32>
      %add3A_259 = arith.constant 0.198973507 : f32
      %add3A_260 = vector.broadcast %add3A_259 : f32 to vector<128x1xf32>
      %add3A_261 = arith.addf %mul3A_258, %add3A_260 : vector<128x1xf32>
      %mul3A_262 = arith.mulf %add3A_261, %mul3A_243 : vector<128x1xf32>
      %add3A_263 = arith.constant -0.333277225 : f32
      %add3A_264 = vector.broadcast %add3A_263 : f32 to vector<128x1xf32>
      %add3A_265 = arith.addf %mul3A_262, %add3A_264 : vector<128x1xf32>
      %mul3A_266 = arith.mulf %add3A_265, %mul3A_243 : vector<128x1xf32>
      %add3A_267 = arith.constant 0.999999463 : f32
      %add3A_268 = vector.broadcast %add3A_267 : f32 to vector<128x1xf32>
      %add3A_269 = arith.addf %mul3A_266, %add3A_268 : vector<128x1xf32>
      %mul3A_270 = arith.mulf %select_n3A_242, %add3A_269 : vector<128x1xf32>
      %gt3A_271 = arith.constant 1.000000e+00 : f32
      %gt3A_272 = vector.broadcast %gt3A_271 : f32 to vector<128x1xf32>
      %gt3A_273 = arith.cmpf ogt, %div3A_232, %gt3A_272 : vector<128x1xf32>
      %sub3A_274 = arith.constant 1.57079637 : f32
      %sub3A_275 = vector.broadcast %sub3A_274 : f32 to vector<128x1xf32>
      %sub3A_276 = arith.subf %sub3A_275, %mul3A_270 : vector<128x1xf32>
      %select_n3A_277 = arith.select %gt3A_273, %sub3A_276, %mul3A_270 : vector<128x1xi1>, vector<128x1xf32>
      %sub3A_278 = arith.subf %select_n3A_228, %select_n3A_277 : vector<128x1xf32>
      %mul3A_279 = arith.constant 0.405284733 : f32
      %mul3A_280 = vector.broadcast %mul3A_279 : f32 to vector<128x1xf32>
      %mul3A_281 = arith.mulf %mul3A_280, %sub3A_278 : vector<128x1xf32>
      %mul3A_282 = arith.mulf %mul3A_281, %sub3A_278 : vector<128x1xf32>
      %sub3A_283 = arith.constant 1.000000e+00 : f32
      %sub3A_284 = vector.broadcast %sub3A_283 : f32 to vector<128x1xf32>
      %sub3A_285 = arith.subf %sub3A_284, %div3A_163 : vector<128x1xf32>
      %add3A_286 = arith.addf %sub3A_285, %mul3A_282 : vector<128x1xf32>
      %add3A_287 = arith.constant 1.000000e-07 : f32
      %add3A_288 = vector.broadcast %add3A_287 : f32 to vector<128x1xf32>
      %add3A_289 = arith.addf %add3A_286, %add3A_288 : vector<128x1xf32>
      %div3A_290 = arith.divf %mul3A_282, %add3A_289 : vector<128x1xf32>
      %sub3A_291 = arith.constant 1.000000e+00 : f32
      %sub3A_292 = vector.broadcast %sub3A_291 : f32 to vector<128x1xf32>
      %sub3A_293 = arith.subf %sub3A_292, %div3A_163 : vector<128x1xf32>
      %add3A_294 = arith.addf %sub3A_293, %div3A_180 : vector<128x1xf32>
      %mul3A_295 = arith.mulf %div3A_290, %mul3A_282 : vector<128x1xf32>
      %add3A_296 = arith.addf %add3A_294, %mul3A_295 : vector<128x1xf32>
      %reduce_sum3A_297 = vector.shape_cast %add3A_296 : vector<128x1xf32> to vector<1x128x1xf32>
      %reduce_sum3A_298 = arith.constant dense<0.000000e+00> : vector<1xf32>
      %reduce_sum3A_299 = vector.multi_reduction <add>, %reduce_sum3A_297, %reduce_sum3A_298 [1, 2] : vector<1x128x1xf32> to vector<1xf32>
      %reduce_sum3A_300 = vector.shape_cast %reduce_sum3A_299 : vector<1xf32> to vector<1x1x1xf32>
      %reduce_sum3A_301 = vector.extract %reduce_sum3A_300[0, 0, 0] : f32 from vector<1x1x1xf32>
      %div3A_302 = arith.constant 1.280000e+02 : f32
      %div3A_303 = arith.divf %reduce_sum3A_301, %div3A_302 : f32
      %mul3A_304 = arith.constant 7.000000e-02 : f32
      %mul3A_305 = arith.mulf %div3A_303, %mul3A_304 : f32
      %get3A_306 = arith.constant 0 : index
      %get3A_307 = arith.constant 0 : index
      %get3A_308 = vector.load %arg1[%get3A_306, %get3A_307] : memref<1x128xi32, #tpu.memory_space<vmem>>, vector<1x128xi32>
      %iota3A_309 = tpu.iota {dimensions = array<i32: 1>} : vector<128x128xi32>
      %iota3A_310 = tpu.iota {dimensions = array<i32: 0>} : vector<128x128xi32>
      %eq3A_311 = vector.broadcast %get3A_62 : vector<128x1xi32> to vector<128x128xi32>
      %eq3A_312 = vector.broadcast %get3A_308 : vector<1x128xi32> to vector<128x128xi32>
      %eq3A_313 = arith.cmpi eq, %eq3A_311, %eq3A_312 : vector<128x128xi32>
      %gt3A_314 = arith.cmpi sgt, %iota3A_309, %iota3A_310 : vector<128x128xi32>
      %and3A_315 = arith.andi %eq3A_313, %gt3A_314 : vector<128x128xi1>
      %jit3A_316 = arith.constant 1.000000e+00 : f32
      %jit3A_317 = arith.constant 0.000000e+00 : f32
      %broadcast_in_dim3A_318 = vector.broadcast %jit3A_316 : f32 to vector<128x128xf32>
      %broadcast_in_dim3A_319 = vector.broadcast %jit3A_317 : f32 to vector<128x128xf32>
      %select_n3A_320 = arith.select %and3A_315, %broadcast_in_dim3A_318, %broadcast_in_dim3A_319 : vector<128x128xi1>, vector<128x128xf32>
      %reduce_sum3A_321 = arith.constant dense<0.000000e+00> : vector<128xf32>
      %reduce_sum3A_322 = vector.multi_reduction <add>, %select_n3A_320, %reduce_sum3A_321 [1] : vector<128x128xf32> to vector<128xf32>
      %broadcast_in_dim3A_323 = vector.shape_cast %reduce_sum3A_322 : vector<128xf32> to vector<128x1xf32>
      %eq3A_324 = arith.constant 0.000000e+00 : f32
      %eq3A_325 = vector.broadcast %eq3A_324 : f32 to vector<128x1xf32>
      %eq3A_326 = arith.cmpf oeq, %broadcast_in_dim3A_323, %eq3A_325 : vector<128x1xf32>
      %eq3A_327 = arith.constant 4 : i32
      %eq3A_328 = vector.broadcast %eq3A_327 : i32 to vector<128x256xi32>
      %eq3A_329 = arith.cmpi eq, %sub3A_70, %eq3A_328 : vector<128x256xi32>
      %jit3A_330 = arith.constant 0.000000e+00 : f32
      %broadcast_in_dim3A_331 = vector.broadcast %jit3A_330 : f32 to vector<128x256xf32>
      %select_n3A_332 = arith.select %eq3A_329, %get3A_59, %broadcast_in_dim3A_331 : vector<128x256xi1>, vector<128x256xf32>
      %reduce_sum3A_333 = arith.constant dense<0.000000e+00> : vector<128xf32>
      %reduce_sum3A_334 = vector.multi_reduction <add>, %select_n3A_332, %reduce_sum3A_333 [1] : vector<128x256xf32> to vector<128xf32>
      %broadcast_in_dim3A_335 = vector.shape_cast %reduce_sum3A_334 : vector<128xf32> to vector<128x1xf32>
      %jit3A_336 = arith.constant 1.000000e-07 : f32
      %jit3A_337 = arith.constant 0.99999988 : f32
      %max3A_338 = vector.broadcast %jit3A_336 : f32 to vector<128x1xf32>
      %max3A_339 = arith.maximumf %max3A_338, %broadcast_in_dim3A_335 : vector<128x1xf32>
      %min3A_340 = vector.broadcast %jit3A_337 : f32 to vector<128x1xf32>
      %min3A_341 = arith.minimumf %min3A_340, %max3A_339 : vector<128x1xf32>
      %ne3A_342 = arith.constant 0.000000e+00 : f32
      %ne3A_343 = vector.broadcast %ne3A_342 : f32 to vector<128x1xf32>
      %ne3A_344 = arith.cmpf one, %div3A_163, %ne3A_343 : vector<128x1xf32>
      %and3A_345 = arith.andi %eq3A_326, %ne3A_344 : vector<128x1xi1>
      %convert_element_type3A_346 = arith.extui %and3A_345 : vector<128x1xi1> to vector<128x1xi32>
      %convert_element_type3A_347 = arith.sitofp %convert_element_type3A_346 : vector<128x1xi32> to vector<128x1xf32>
      %reduce_sum3A_348 = vector.shape_cast %convert_element_type3A_347 : vector<128x1xf32> to vector<1x128x1xf32>
      %reduce_sum3A_349 = arith.constant dense<0.000000e+00> : vector<1xf32>
      %reduce_sum3A_350 = vector.multi_reduction <add>, %reduce_sum3A_348, %reduce_sum3A_349 [1, 2] : vector<1x128x1xf32> to vector<1xf32>
      %reduce_sum3A_351 = vector.shape_cast %reduce_sum3A_350 : vector<1xf32> to vector<1x1x1xf32>
      %reduce_sum3A_352 = vector.extract %reduce_sum3A_351[0, 0, 0] : f32 from vector<1x1x1xf32>
      %log3A_353 = math.log %min3A_341 : vector<128x1xf32>
      %mul3A_354 = arith.mulf %div3A_163, %log3A_353 : vector<128x1xf32>
      %sub3A_355 = arith.constant 1.000000e+00 : f32
      %sub3A_356 = vector.broadcast %sub3A_355 : f32 to vector<128x1xf32>
      %sub3A_357 = arith.subf %sub3A_356, %div3A_163 : vector<128x1xf32>
      %sub3A_358 = arith.constant 1.000000e+00 : f32
      %sub3A_359 = vector.broadcast %sub3A_358 : f32 to vector<128x1xf32>
      %sub3A_360 = arith.subf %sub3A_359, %min3A_341 : vector<128x1xf32>
      %log3A_361 = math.log %sub3A_360 : vector<128x1xf32>
      %mul3A_362 = arith.mulf %sub3A_357, %log3A_361 : vector<128x1xf32>
      %add3A_363 = arith.addf %mul3A_354, %mul3A_362 : vector<128x1xf32>
      %neg3A_364 = arith.constant 0.000000e+00 : f32
      %neg3A_365 = vector.broadcast %neg3A_364 : f32 to vector<128x1xf32>
      %neg3A_366 = arith.subf %neg3A_365, %add3A_363 : vector<128x1xf32>
      %jit3A_367 = arith.constant 0.000000e+00 : f32
      %broadcast_in_dim3A_368 = vector.broadcast %jit3A_367 : f32 to vector<128x1xf32>
      %select_n3A_369 = arith.select %and3A_345, %neg3A_366, %broadcast_in_dim3A_368 : vector<128x1xi1>, vector<128x1xf32>
      %reduce_sum3A_370 = vector.shape_cast %select_n3A_369 : vector<128x1xf32> to vector<1x128x1xf32>
      %reduce_sum3A_371 = arith.constant dense<0.000000e+00> : vector<1xf32>
      %reduce_sum3A_372 = vector.multi_reduction <add>, %reduce_sum3A_370, %reduce_sum3A_371 [1, 2] : vector<1x128x1xf32> to vector<1xf32>
      %reduce_sum3A_373 = vector.shape_cast %reduce_sum3A_372 : vector<1xf32> to vector<1x1x1xf32>
      %reduce_sum3A_374 = vector.extract %reduce_sum3A_373[0, 0, 0] : f32 from vector<1x1x1xf32>
      %sub3A_375 = arith.constant 1.000000e+00 : f32
      %sub3A_376 = vector.broadcast %sub3A_375 : f32 to vector<128x1xf32>
      %sub3A_377 = arith.subf %sub3A_376, %min3A_341 : vector<128x1xf32>
      %log3A_378 = math.log %sub3A_377 : vector<128x1xf32>
      %neg3A_379 = arith.constant 0.000000e+00 : f32
      %neg3A_380 = vector.broadcast %neg3A_379 : f32 to vector<128x1xf32>
      %neg3A_381 = arith.subf %neg3A_380, %log3A_378 : vector<128x1xf32>
      %jit3A_382 = arith.constant 0.000000e+00 : f32
      %broadcast_in_dim3A_383 = vector.broadcast %jit3A_382 : f32 to vector<128x1xf32>
      %select_n3A_384 = arith.select %and3A_345, %neg3A_381, %broadcast_in_dim3A_383 : vector<128x1xi1>, vector<128x1xf32>
      %reduce_sum3A_385 = vector.shape_cast %select_n3A_384 : vector<128x1xf32> to vector<1x128x1xf32>
      %reduce_sum3A_386 = arith.constant dense<0.000000e+00> : vector<1xf32>
      %reduce_sum3A_387 = vector.multi_reduction <add>, %reduce_sum3A_385, %reduce_sum3A_386 [1, 2] : vector<1x128x1xf32> to vector<1xf32>
      %reduce_sum3A_388 = vector.shape_cast %reduce_sum3A_387 : vector<1xf32> to vector<1x1x1xf32>
      %reduce_sum3A_389 = vector.extract %reduce_sum3A_388[0, 0, 0] : f32 from vector<1x1x1xf32>
      %max3A_390 = arith.constant 1.000000e+00 : f32
      %max3A_391 = arith.maximumf %reduce_sum3A_352, %max3A_390 : f32
      %div3A_392 = arith.divf %reduce_sum3A_374, %max3A_391 : f32
      %mul3A_393 = arith.constant 1.000000e+00 : f32
      %mul3A_394 = arith.mulf %div3A_392, %mul3A_393 : f32
      %get3A_395 = arith.constant 0 : index
      %get3A_396 = arith.constant 0 : index
      %get3A_397 = memref.load %arg10[%get3A_395, %get3A_396] : memref<1x1xf32, #tpu.memory_space<smem>>
      %sub3A_398 = arith.subf %get3A_397, %reduce_sum3A_389 : f32
      %sub3A_399 = arith.constant 9.830400e+04 : f32
      %sub3A_400 = arith.subf %sub3A_399, %reduce_sum3A_352 : f32
      %max3A_401 = arith.constant 1.000000e+00 : f32
      %max3A_402 = arith.maximumf %sub3A_400, %max3A_401 : f32
      %div3A_403 = arith.divf %sub3A_398, %max3A_402 : f32
      %ge3A = arith.constant 5 : i32
      %ge3A_404 = vector.broadcast %ge3A : i32 to vector<128x256xi32>
      %ge3A_405 = arith.cmpi sge, %sub3A_70, %ge3A_404 : vector<128x256xi32>
      %lt3A_406 = arith.constant 85 : i32
      %lt3A_407 = vector.broadcast %lt3A_406 : i32 to vector<128x256xi32>
      %lt3A_408 = arith.cmpi slt, %sub3A_70, %lt3A_407 : vector<128x256xi32>
      %and3A_409 = arith.andi %ge3A_405, %lt3A_408 : vector<128x256xi1>
      %jit3A_410 = arith.constant 0xFF800000 : f32
      %broadcast_in_dim3A_411 = vector.broadcast %jit3A_410 : f32 to vector<128x256xf32>
      %select_n3A_412 = arith.select %and3A_409, %get3A_59, %broadcast_in_dim3A_411 : vector<128x256xi1>, vector<128x256xf32>
      %reduce_max3A = arith.constant dense<0xFF800000> : vector<128xf32>
      %reduce_max3A_413 = vector.multi_reduction <maximumf>, %select_n3A_412, %reduce_max3A [1] : vector<128x256xf32> to vector<128xf32>
      %broadcast_in_dim3A_414 = vector.shape_cast %reduce_max3A_413 : vector<128xf32> to vector<128x1xf32>
      %sub3A_415 = vector.broadcast %broadcast_in_dim3A_414 : vector<128x1xf32> to vector<128x256xf32>
      %sub3A_416 = arith.subf %get3A_59, %sub3A_415 : vector<128x256xf32>
      %jit3A_417 = arith.constant 0xFF800000 : f32
      %broadcast_in_dim3A_418 = vector.broadcast %jit3A_417 : f32 to vector<128x256xf32>
      %select_n3A_419 = arith.select %and3A_409, %sub3A_416, %broadcast_in_dim3A_418 : vector<128x256xi1>, vector<128x256xf32>
      %exp3A = math.exp %select_n3A_419 : vector<128x256xf32>
      %reduce_sum3A_420 = arith.constant dense<0.000000e+00> : vector<128xf32>
      %reduce_sum3A_421 = vector.multi_reduction <add>, %exp3A, %reduce_sum3A_420 [1] : vector<128x256xf32> to vector<128xf32>
      %broadcast_in_dim3A_422 = vector.shape_cast %reduce_sum3A_421 : vector<128xf32> to vector<128x1xf32>
      %log3A_423 = math.log %broadcast_in_dim3A_422 : vector<128x1xf32>
      %add3A_424 = arith.addf %broadcast_in_dim3A_414, %log3A_423 : vector<128x1xf32>
      %sub3A_425 = arith.constant 5 : i32
      %sub3A_426 = vector.broadcast %sub3A_425 : i32 to vector<128x256xi32>
      %sub3A_427 = arith.subi %sub3A_70, %sub3A_426 : vector<128x256xi32>
      %get3A_428 = arith.constant 0 : index
      %get3A_429 = arith.constant 0 : index
      %get3A_430 = vector.load %arg3[%get3A_428, %get3A_429] : memref<128x1xi32, #tpu.memory_space<vmem>>, vector<128x1xi32>
      %eq3A_431 = vector.broadcast %get3A_430 : vector<128x1xi32> to vector<128x256xi32>
      %eq3A_432 = arith.cmpi eq, %sub3A_427, %eq3A_431 : vector<128x256xi32>
      %jit3A_433 = arith.constant 0.000000e+00 : f32
      %broadcast_in_dim3A_434 = vector.broadcast %jit3A_433 : f32 to vector<128x256xf32>
      %select_n3A_435 = arith.select %eq3A_432, %get3A_59, %broadcast_in_dim3A_434 : vector<128x256xi1>, vector<128x256xf32>
      %reduce_sum3A_436 = arith.constant dense<0.000000e+00> : vector<128xf32>
      %reduce_sum3A_437 = vector.multi_reduction <add>, %select_n3A_435, %reduce_sum3A_436 [1] : vector<128x256xf32> to vector<128xf32>
      %broadcast_in_dim3A_438 = vector.shape_cast %reduce_sum3A_437 : vector<128xf32> to vector<128x1xf32>
      %sub3A_439 = arith.subf %add3A_424, %broadcast_in_dim3A_438 : vector<128x1xf32>
      %reduce_sum3A_440 = vector.shape_cast %sub3A_439 : vector<128x1xf32> to vector<1x128x1xf32>
      %reduce_sum3A_441 = arith.constant dense<0.000000e+00> : vector<1xf32>
      %reduce_sum3A_442 = vector.multi_reduction <add>, %reduce_sum3A_440, %reduce_sum3A_441 [1, 2] : vector<1x128x1xf32> to vector<1xf32>
      %reduce_sum3A_443 = vector.shape_cast %reduce_sum3A_442 : vector<1xf32> to vector<1x1x1xf32>
      %reduce_sum3A_444 = vector.extract %reduce_sum3A_443[0, 0, 0] : f32 from vector<1x1x1xf32>
      %div3A_445 = arith.constant 1.280000e+02 : f32
      %div3A_446 = arith.divf %reduce_sum3A_444, %div3A_445 : f32
      %add3A_447 = arith.addf %mul3A_305, %mul3A_394 : f32
      %add3A_448 = arith.addf %add3A_447, %div3A_403 : f32
      %add3A_449 = arith.addf %add3A_448, %div3A_446 : f32
      %swap3A_450 = arith.constant 0 : index
      %swap3A_451 = arith.constant 0 : index
      %swap3A_452 = memref.load %arg7[%swap3A_450, %swap3A_451] : memref<1x1xf32, #tpu.memory_space<smem>>
      memref.store %add3A_449, %arg7[%swap3A_450, %swap3A_451] : memref<1x1xf32, #tpu.memory_space<smem>>
    } else {
    }
    return
  }
  func.func @transform_0(%arg0: i32) -> (i32, i32) {
    %c0_i32 = arith.constant 0 : i32
    %c0_i32_0 = arith.constant 0 : i32
    %c0_i32_1 = arith.constant 0 : i32
    return %c0_i32, %c0_i32_0 : i32, i32
  }
  func.func @transform_1(%arg0: i32) -> (i32, i32) {
    %c0_i32 = arith.constant 0 : i32
    %c0_i32_0 = arith.constant 0 : i32
    %c0_i32_1 = arith.constant 0 : i32
    return %c0_i32, %c0_i32_0 : i32, i32
  }
  func.func @transform_2(%arg0: i32) -> (i32, i32) {
    %c0_i32 = arith.constant 0 : i32
    %c0_i32_0 = arith.constant 0 : i32
    %c0_i32_1 = arith.constant 0 : i32
    return %c0_i32, %c0_i32_0 : i32, i32
  }
  func.func @transform_3(%arg0: i32) -> (i32, i32) {
    %c0_i32 = arith.constant 0 : i32
    %c0_i32_0 = arith.constant 0 : i32
    %c0_i32_1 = arith.constant 0 : i32
    return %c0_i32, %c0_i32_0 : i32, i32
  }
  func.func @transform_4(%arg0: i32) -> (i32, i32) {
    %c0_i32 = arith.constant 0 : i32
    %c0_i32_0 = arith.constant 0 : i32
    %c0_i32_1 = arith.constant 0 : i32
    return %c0_i32, %c0_i32_0 : i32, i32
  }
  func.func @transform_6(%arg0: i32) -> (i32, i32) {
    %c0_i32 = arith.constant 0 : i32
    %c0_i32_0 = arith.constant 0 : i32
    %c0_i32_1 = arith.constant 0 : i32
    return %c0_i32, %c0_i32_0 : i32, i32
  }
}

</mosaic_0001>

<sc_bundles>
// kernel: kernel.4.cloned.1.call-start
scs
__scs_entry_jumppad:
0x0: {  	(pc) =	sbr.rel $0x88, $3  }
0x1: {  	(tag) =	ssettag $0x0;
	lr =	simm.s32 $0x1  }
0x2: {  	[smem:$0x3F9A] =	sst lr;
	_ =	strace $0xD0000000  }
0x3: {  	_ = 	snop  }
0x4: {  	_ = 	snop  }
0x5: {  	_ = 	snop  }
0x6: {  	_ = 	snop  }
0x7: {  	_ = 	snop  }
__scs_overlays_trampoline_lowered:
0x8: {  	[smem:$0x3FA9] =	sst s0  }
0x9: {  	[smem:$0x3FAA] =	sst s1  }
0xa: {  	[smem:$0x3FAB] =	sst s2  }
0xb: {  	[smem:$0x3FAC] =	sst s3  }
0xc: {  	[smem:$0x3FAD] =	sst s4  }
0xd: {  	[smem:$0x3FAE] =	sst s5  }
0xe: {  	[smem:$0x3FAF] =	sst s6  }
0xf: {  	[smem:$0x3FB0] =	sst s7  }
0x10: {  	[smem:$0x3FB1] =	sst s8  }
0x11: {  	[smem:$0x3FB2] =	sst s9;
	s0 =	simm.s32 @!p0 $0x0  }
0x12: {  	s1 =	sld [smem:$0x3F98];
	s0 =	simm.s32 @p0 $0x1  }
0x13: {  	[smem:$0x3FB3] =	sst s0;
	s0 =	simm.s32 @!p1 $0x0  }
0x14: {  	s2 =	sld [smem:$0x3F97];
	s0 =	simm.s32 @p1 $0x1  }
0x15: {  	[smem:$0x3FB4] =	sst s0;
	s0 =	simm.s32 @!p2 $0x0  }
0x16: {  	s3 =	sld [smem:$0x3FDB];
	s0 =	simm.s32 @p2 $0x1  }
0x17: {  	s4 =	simm.s32 $0x1BF5;
	[smem:$0x3FB6] =	sst s0  }
0x18: {  	s0 =	sld [smem:$0x3F99];
	_ =	swait.ge [sflag:s4], $0x0  }
0x19: {  	s7 =	sld [smem:$0x3F9A]  }
0x1a: {  	s8 =	sadd.s32 $0xFFFFE003, lr  }
0x1b: {  	s9 =	sadd.s32 $0xFFFFFEF7, lr;
	s5 =	simm.s32 $0xFFFFFFFF;
	p2 =	slt.u32 s8, $0xFFFFF086  }
0x1c: {  	p1 =	slt.u32 s9, $0xF7A;
	s5 =	simm.s32 @!p2 $0x0  }
0x1d: {  	s5 =	simm.s32 @p1 $0x1;
	p0 =	seq.s32 s7, s2  }
0x1e: {  	s7 =	smul.u32 @!p0 $0xF7A, s2;
	p2 =	seq.s32 @!p0 s5, $0x0  }
0x1f: {  	s9 =	smul.u32 $0xF7A, s1;
	s8 =	simm.s32 @!p0 $0x1BF5;
	p2 =	por !p2, p0  }
0x20: {  	[sflag:s8] =	ssyncset.s32 @!p0 $0xFFFFF086;
	s6 =	sadd.s32 @!p0 s3, s7;
	s7 =	simm.s32 @!p0 $0x108  }
0x21: {  	s3 =	sadd.s32 s3, s9;
	s6 =	sadd.s32 @!p0 $0x88, s6;
	s7 =	simm.s32 @p2 $0x1082  }
0x22: {  	[simem:s7], [sflag:s8] =	dma.local @!p0 [hbm:s6], $0xF7A  }
0x23: {  	s9 =	sor.u32 $0xD0000000, s2;
	s6 =	simm.s32 $0x108;
	_ =	swait.ge @!p0 [sflag:s8], $0x0  }
0x24: {  	s3 =	sadd.s32 $0x88, s3;
	s6 =	simm.s32 @!p1 $0x1082;
	[sflag:s4] =	ssyncset.s32 $0xFFFFF086  }
0x25: {  	[simem:s6], [sflag:s4] =	dma.local [hbm:s3], $0xF7A  }
0x26: {  	[smem:$0x3F9A] =	sst s1;
	(tag) =	ssettag s2;
	_ =	strace s9  }
0x27: {  	s1 =	sld [smem:$0x3FAA]  }
0x28: {  	s2 =	sld [smem:$0x3FAB]  }
0x29: {  	s4 =	sld [smem:$0x3FAD]  }
0x2a: {  	p0 =	seq.s32 s5, $0x0;
	s5 =	sld [smem:$0x3FAE]  }
0x2b: {  	s6 =	sld [smem:$0x3FAF]  }
0x2c: {  	s7 =	sld [smem:$0x3FB0]  }
0x2d: {  	s3 =	simm.s32 $0x108;
	s8 =	sld [smem:$0x3FB1]  }
0x2e: {  	s3 =	simm.s32 @!p0 $0x1082;
	s9 =	sld [smem:$0x3FB2]  }
0x2f: {  	lr =	sadd.s32 s0, s3;
	s0 =	sld [smem:$0x3FA9]  }
0x30: {  	s3 =	sld [smem:$0x3FAC]  }
0x31: {  	[smem:$0x3FB5] =	sst s10  }
0x32: {  	s10 =	sld [smem:$0x3FB3];
	_ =	sdelay $0x3  }
0x33: {  	p0 =	seq.s32 s10, $0x1;
	s10 =	sld [smem:$0x3FB5];
	_ =	sdelay $0x3  }
0x34: {  	[smem:$0x3FB5] =	sst s10  }
0x35: {  	s10 =	sld [smem:$0x3FB4];
	_ =	sdelay $0x3  }
0x36: {  	p1 =	seq.s32 s10, $0x1;
	s10 =	sld [smem:$0x3FB5];
	_ =	sdelay $0x3  }
0x37: {  	[smem:$0x3FB5] =	sst s10  }
0x38: {  	s10 =	sld [smem:$0x3FB6]  }
0x39: {  	_ = 	snop;
	(pc) =	sbr.ind lr, $3  }
0x3a: {  	_ = 	snop  }
0x3b: {  	_ = 	snop  }
0x3c: {  	p2 =	seq.s32 s10, $0x1;
	s10 =	sld [smem:$0x3FB5]  }
0x3d: {  	_ =	shalt  }
0x3e: {  	_ =	shalt  }
0x3f: {  	_ =	shalt  }
0x40: {  	_ =	shalt  }
0x41: {  	_ =	shalt  }
0x42: {  	_ =	shalt  }
0x43: {  	_ =	shalt  }
0x44: {  	_ =	shalt  }
0x45: {  	_ =	shalt  }
0x46: {  	_ =	shalt  }
0x47: {  	_ =	shalt  }
0x48: {  	_ =	shalt  }
0x49: {  	_ =	shalt  }
0x4a: {  	_ =	shalt  }
0x4b: {  	_ =	shalt  }
0x4c: {  	_ =	shalt  }
0x4d: {  	_ =	shalt  }
0x4e: {  	_ =	shalt  }
0x4f: {  	_ =	shalt  }
0x50: {  	_ =	shalt  }
0x51: {  	_ =	shalt  }
0x52: {  	_ =	shalt  }
0x53: {  	_ =	shalt  }
0x54: {  	_ =	shalt  }
0x55: {  	_ =	shalt  }
0x56: {  	_ =	shalt  }
0x57: {  	_ =	shalt  }
0x58: {  	_ =	shalt  }
0x59: {  	_ =	shalt  }
0x5a: {  	_ =	shalt  }
0x5b: {  	_ =	shalt  }
0x5c: {  	_ =	shalt  }
0x5d: {  	_ =	shalt  }
0x5e: {  	_ =	shalt  }
0x5f: {  	_ =	shalt  }
0x60: {  	_ =	shalt  }
0x61: {  	_ =	shalt  }
0x62: {  	_ =	shalt  }
0x63: {  	_ =	shalt  }
0x64: {  	_ =	shalt  }
0x65: {  	_ =	shalt  }
0x66: {  	_ =	shalt  }
0x67: {  	_ =	shalt  }
0x68: {  	_ =	shalt  }
0x69: {  	_ =	shalt  }
0x6a: {  	_ =	shalt  }
0x6b: {  	_ =	shalt  }
0x6c: {  	_ =	shalt  }
0x6d: {  	_ =	shalt  }
0x6e: {  	_ =	shalt  }
0x6f: {  	_ =	shalt  }
0x70: {  	_ =	shalt  }
0x71: {  	_ =	shalt  }
0x72: {  	_ =	shalt  }
0x73: {  	_ =	shalt  }
0x74: {  	_ =	shalt  }
0x75: {  	_ =	shalt  }
0x76: {  	_ =	shalt  }
0x77: {  	_ =	shalt  }
0x78: {  	_ =	shalt  }
0x79: {  	_ =	shalt  }
0x7a: {  	_ =	shalt  }
0x7b: {  	_ =	shalt  }
0x7c: {  	_ =	shalt  }
0x7d: {  	_ =	shalt  }
0x7e: {  	_ =	shalt  }
0x7f: {  	_ =	shalt  }
0x80: {  	_ =	shalt  }
0x81: {  	_ =	shalt  }
0x82: {  	_ =	shalt  }
0x83: {  	_ =	shalt  }
0x84: {  	_ =	shalt  }
0x85: {  	_ =	shalt  }
0x86: {  	_ =	shalt  }
0x87: {  	_ =	shalt  }
.Lfunc_end0:
.L_simem_size_0:
called_computation_lowered:
.L_overlay_start_0:
0x88: {  	s2 =	sld [smem:$0x3FD9]  }
0x89: {  	s3 =	sld [smem:$0x3FFE];
	_ =	sdelay $0x1  }
0x8a: {  	s1 =	srdreg.scid  }
0x8b: {  	s0 =	sand.u32 $0x1, s1  }
0x8c: {  	s17 =	sshll.u32 s0, $0xA;
	s2 =	sadd.s32 s3, s2  }
0x8d: {  	s2 =	sadd.s32 s2, s17  }
0x8e: {  	[smem:$0x3FC1] =	sst s2  }
0x8f: {  	_ = 	snop  }
0x90: {  	s2 =	sld [smem:$0x3FC7]  }
0x91: {  	s18 =	sld [smem:$0x3FC6]  }
0x92: {  	s4 =	sld [smem:$0x3FC5]  }
0x93: {  	s5 =	sld [smem:$0x3FC4];
	(tm) =	ssettm $0x1  }
0x94: {  	s6 =	sld [smem:$0x3FFB];
	_ =	sdelay $0x3  }
0x95: {  	_ =	strace s6  }
0x96: {  	s6 =	sld [smem:$0x3FFC];
	_ =	sdelay $0x3  }
0x97: {  	_ =	strace s6  }
0x98: {  	s6 =	sld [smem:$0x3FFD];
	_ =	sdelay $0x3  }
0x99: {  	_ =	strace s6  }
0x9a: {  	_ =	strace $0x8FFFFFFF  }
0x9b: {  	s19 =	sld [smem:$0x3FDB];
	_ =	sdelay $0x1  }
0x9c: {  	s7 =	simm.s32 $_scs_section_size  }
0x9d: {  	s8 =	simm.s32 $_size__tile_overlayer_lowered;
	s9 =	simm.s32 $_tile_overlayer_lowered  }
0x9e: {  	s22 =	simm.s32 $0x1BFF;
	s21 =	sshll.u32 s9, $0x1;
	s6 =	sadd.s32 s7, s19  }
0x9f: {  	s10 =	simm.s32 $0x0;
	s20 =	sshll.u32 s8, $0x1;
	s8 =	sadd.s32 s21, s6  }
0xa0: {  	[timem:s10], [sflag:s22] =	dma.local [hbm:s8], s20  }
0xa1: {  	_ =	swait.ge [sflag:s22], s20  }
0xa2: {  	s7 =	ssub.s32 $0x0, s20;
	[sflag:s22] =	ssyncset.done $0x0  }
0xa3: {  	[sflag:s22] =	ssyncadd.s32 s7;
	_ =	sdelay $0x1  }
0xa4: {  	s23 =	simm.s32 $0x1B8B  }
0xa5: {  	_ =	swait.ge [sflag:s23], $0x1  }
0xa6: {  	[sflag:s23] =	ssyncset.done $0x0  }
0xa7: {  	s25 =	simm.s32 $0x1B8E;
	s24 =	sld [smem:$0x3FFE];
	[sflag:s23] =	ssyncadd.s32 $0xFFFFFFFF  }
0xa8: {  	s26 =	simm.s32 $execute0_lowered;
	[smem:$0x3FD2] =	sst s25  }
0xa9: {  	s8 =	sshll.u32 s26, $0x1;
	_ =	strace $0x80000046;
	[dreg:$0x1] =	wrdreg $0xFFFFFFFF  }
0xaa: {  	s28 =	simm.s32 $_size_execute0_lowered;
	s6 =	sadd.s32 s6, s8;
	[dreg:$0x0] =	wrdreg $0x0  }
0xab: {  	s8 =	sshll.u32 s28, $0x1;
	[dreg:$0x2] =	wrdreg s6  }
0xac: {  	[dreg:$0x3] =	wrdreg s8  }
0xad: {  	[dreg:$0x4] =	wrdreg $0xC0  }
0xae: {  	_ =	task [dreg:s10], $0x5FFFF  }
0xaf: {  	[dreg:$0x1] =	wrdreg $0xFFFFFFFF  }
0xb0: {  	[dreg:$0x0] =	wrdreg $0x60  }
0xb1: {  	[dreg:$0x2] =	wrdreg s2  }
0xb2: {  	[dreg:$0x3] =	wrdreg s18  }
0xb3: {  	[dreg:$0x4] =	wrdreg s4  }
0xb4: {  	[dreg:$0x5] =	wrdreg s5  }
0xb5: {  	[dreg:$0x6] =	wrdreg s24  }
0xb6: {  	[dreg:$0x7] =	wrdreg $0x9  }
0xb7: {  	_ =	task.clear_ibuf [dreg:s10], $0x8FFFF;
	_ =	strace $0x90000046  }
0xb8: {  	s29 =	simm.s32 $0x9;
	_ =	strace $0x80000048  }
0xb9: {  	_ =	swait.ge [sflag:s29], $0x1  }
0xba: {  	[sflag:s29] =	ssyncadd.s32 $0xFFFFFFFF  }
0xbb: {  	_ =	strace $0x90000048  }
0xbc: {  	_ =	sfence  }
0xbd: {  	s30 =	sld [smem:$0x0];
	_ =	sdelay $0x2  }
0xbe: {  	s31 =	sshll.u32 s1, $0xD;
	s1 =	sshrl.u32 s1, $0x2  }
0xbf: {  	s3 =	sand.u32 $0x4000, s31;
	s1 =	sadd.s32 s1, s30  }
0xc0: {  	s0 =	sor.u32 s3, s0;
	s1 =	sshll.u32 s1, $0x11  }
0xc1: {  	s0 =	sor.u32 s1, s0  }
0xc2: {  	s0 =	sadd.s32 $0x8F2B, s0  }
0xc3: {  	[sflag:s0] =	ssyncadd.remote.s32 $0x1  }
0xc4: {  	_ =	sfence.sel $0xFFFF  }
0xc5: {  	[dreg:$0x0] =	wrdreg $0xFFFFFFFF;
	(pc) =	sbr.abs _section_cstart, $3  }
0xc6: {  	[dreg:$0x1] =	wrdreg $0xFFFFFFFF  }
0xc7: {  	_ =	task.clear_ibuf [dreg:s10], $0x2FFFF;
	_ =	strace $0x9FFFFFFF  }
0xc8: {  	(tm) =	ssettm $0x7FFFFFFF  }
0xc9: {  	_ =	shalt  }
tec
execute0_lowered:
.L_overlay_start_1:
0x0: {  	(tag) =	ssettag $0x1  }
0x1: {  	s3 =	rddreg [dreg:$0x0];
	s1 =	stileid.u32  }
0x2: {  	s5 =	rddreg [dreg:$0x1];
	p0 =	sgt.u32 s1, $0x3  }
.Ltmp0:
0x3: {  	s6 =	rddreg [dreg:$0x2];
	(pc) =	sbr.rel @p0 .LBB2_4-.Ltmp0, $4  }
0x4: {  	s7 =	rddreg [dreg:$0x3]  }
0x5: {  	s15 =	rddreg [dreg:$0x4];
	s2 =	simm.s32 $0x0  }
0x6: {  	[smem:$0x7FF] =	sst s2  }
0x7: {  	s0 =	rddreg [dreg:$0x5];
	_ =	strace $0x80000047  }
0x8: {  	s4 =	srdreg.scid  }
0x9: {  	s31 =	sshll.u32 s1, $0x1;
	s16 =	sand.u32 $0x1, s4  }
0xa: {  	s17 =	sor.u32 s16, s31  }
0xb: {  	s8 =	sshll.u32 s17, $0x1  }
0xc: {  	s4 =	sadd.s32 s3, s8;
	s3 =	simm.s32 $0x2  }
0xd: {  	[tilespmem:s2], [sflag:$0x2] =	stream.linear.gather [hbm4b:s4+s2], $0x10, $0x38;
	[tilespmem:$0x1180] =	vst v63  }
0xe: {  	_ =	swait.ge [sflag:s3], $0x10  }
0xf: {  	[sflag:s3] =	ssyncset.done $0x0  }
0x10: {  	s5 =	sadd.s32 s5, s8;
	[sflag:s3] =	ssyncadd.s32 $0xFFFFFFF0  }
0x11: {  	v0 =	vld [tilespmem:$0x0];
	[tilespmem:s2], [sflag:$0x2] =	stream.linear.gather [hbm4b:s5+s2], $0x10, $0x38  }
0x12: {  	_ =	swait.ge [sflag:s3], $0x10  }
0x13: {  	[sflag:s3] =	ssyncset.done $0x0  }
0x14: {  	s6 =	sadd.s32 s6, s8;
	[sflag:s3] =	ssyncadd.s32 $0xFFFFFFF0  }
0x15: {  	v1 =	vld [tilespmem:$0x0];
	[tilespmem:s2], [sflag:$0x2] =	stream.linear.gather [hbm4b:s6+s2], $0x10, $0x38  }
0x16: {  	_ =	swait.ge [sflag:s3], $0x10  }
0x17: {  	[sflag:s3] =	ssyncset.done $0x0  }
0x18: {  	s7 =	sadd.s32 s7, s8;
	[sflag:s3] =	ssyncadd.s32 $0xFFFFFFF0  }
0x19: {  	v2 =	vld [tilespmem:$0x0];
	[tilespmem:s2], [sflag:$0x2] =	stream.linear.gather [hbm4b:s7+s2], $0x10, $0x38  }
0x1a: {  	_ =	swait.ge [sflag:s3], $0x10  }
0x1b: {  	[sflag:s3] =	ssyncset.done $0x0  }
0x1c: {  	[sflag:s3] =	ssyncadd.s32 $0xFFFFFFF0  }
0x1d: {  	v3 =	vld [tilespmem:$0x0]  }
0x1e: {  	v0 =	vmul.u32 $0x3000, v0;
	v1 =	vmul.u32 $0xC0, v1  }
0x1f: {  	v2 =	vmul.u32 $0x3, v2  }
0x20: {  	v0 =	vadd.s32 v0, v1  }
0x21: {  	v0 =	vadd.s32 v2, v0  }
0x22: {  	v0 =	vadd.s32 v3, v0  }
0x23: {  	v0 =	vmul.u32 $0x55, v0;
	_ =	sdelay $0x1  }
0x24: {  	v0 =	vshra.s32 v0, $0x7  }
0x25: {  	vm0 =	vlt.s32 v0, $0xFEFE  }
0x26: {  	v62 =	vnsel vm0, $0xFEFE, v0  }
0x27: {  	s9 =	simm.s32 $0x10;
	[tilespmem:$0x80] =	vst v0;
	v63 =	vadd.s32 $0x1, v62  }
0x28: {  	s10 =	simm.s32 $0x80;
	s11 =	simm.s32 $0x180;
	s8 =	sadd.s32 $0x201200, s15;
	[tilespmem:$0x100] =	vst v63  }
0x29: {  	[tilespmem:s11], [sflag:$0x1] =	stream.indirect.gather [hbm4b:s8+s9], $0x80, s10, s9, $0xb8;
	[tilespmem:$0x1180] =	vst v63  }
0x2a: {  	s12 =	simm.s32 $0x100;
	s13 =	simm.s32 $0x980;
	s14 =	simm.s32 $0x1  }
0x2b: {  	[tilespmem:s13], [sflag:$0x1] =	stream.indirect.gather [hbm4b:s8+s9], $0x80, s12, s9, $0xb8;
	[tilespmem:$0x1180] =	vst v63  }
0x2c: {  	_ =	swait.ge [sflag:s14], $0x800  }
0x2d: {  	s19 =	ssub.s32 $0x2, s16;
	[sflag:s14] =	ssyncset.done $0x0  }
0x2e: {  	s16 =	simm.s32 $0x400;
	s17 =	sshll.u32 s17, $0x9;
	[sflag:s14] =	ssyncadd.s32 $0xFFFFF800  }
0x2f: {  	s20 =	sshrl.u32 s19, $0x1;
	s18 =	sadd.s32 s17, s15;
	_ =	swait.ge [sflag:s14], $0x800  }
0x30: {  	s17 =	simm.s32 $0x800;
	s19 =	ssub.s32 s19, s20;
	[sflag:s14] =	ssyncset.done $0x0  }
0x31: {  	s15 =	sadd.s32 $0x1200, s18;
	s19 =	smax.u32 s19, $0x1;
	[sflag:s14] =	ssyncadd.s32 $0xFFFFF800  }
0x32: {  	[hbm4b:s15+s16] =	stream.strided.scatter [tilespmem:s11], [sflag:$0x2], $0x800, s17, s16, $0x38;
	[tilespmem:$0x1180] =	vst v63  }
0x33: {  	p0 =	sne.s32 s19, $0x1;
	_ =	swait.ge [sflag:s3], $0x800  }
.Ltmp1:
0x34: {  	[sflag:s3] =	ssyncset.done $0x0;
	(pc) =	sbr.rel @!p0 .LBB2_3-.Ltmp1, $4  }
0x35: {  	s18 =	sadd.s32 $0x1280, s18;
	[sflag:s3] =	ssyncadd.s32 $0xFFFFF800  }
0x36: {  	[hbm4b:s18+s16] =	stream.strided.scatter [tilespmem:s13], [sflag:$0x2], $0x800, s17, s16, $0x38;
	[tilespmem:$0x1180] =	vst v63  }
0x37: {  	_ =	swait.ge [sflag:s3], $0x800  }
0x38: {  	s19 =	sadd.s32 $0xFFFFFFFF, s19;
	[sflag:s3] =	ssyncset.done $0x0  }
.LBB2_2:
0x39: {  	p0 =	sne.s32 s19, $0x1;
	s19 =	sadd.s32 $0xFFFFFFFF, s19;
	[sflag:s3] =	ssyncadd.s32 $0xFFFFF800  }
0x3a: {  	[tilespmem:s2], [sflag:$0x2] =	stream.linear.gather [hbm4b:s4+s2], $0x10, $0x38;
	[tilespmem:$0x1180] =	vst v63  }
0x3b: {  	_ =	swait.ge [sflag:s3], $0x10  }
0x3c: {  	[sflag:s3] =	ssyncset.done $0x0  }
0x3d: {  	[sflag:s3] =	ssyncadd.s32 $0xFFFFFFF0  }
0x3e: {  	v0 =	vld [tilespmem:$0x0]  }
0x3f: {  	[tilespmem:s2], [sflag:$0x2] =	stream.linear.gather [hbm4b:s5+s2], $0x10, $0x38;
	[tilespmem:$0x1180] =	vst v63  }
0x40: {  	_ =	swait.ge [sflag:s3], $0x10  }
0x41: {  	[sflag:s3] =	ssyncset.done $0x0  }
0x42: {  	[sflag:s3] =	ssyncadd.s32 $0xFFFFFFF0  }
0x43: {  	v1 =	vld [tilespmem:$0x0]  }
0x44: {  	[tilespmem:s2], [sflag:$0x2] =	stream.linear.gather [hbm4b:s6+s2], $0x10, $0x38;
	[tilespmem:$0x1180] =	vst v63  }
0x45: {  	_ =	swait.ge [sflag:s3], $0x10  }
0x46: {  	[sflag:s3] =	ssyncset.done $0x0  }
0x47: {  	[sflag:s3] =	ssyncadd.s32 $0xFFFFFFF0  }
0x48: {  	v1 =	vmul.u32 $0xC0, v1;
	v2 =	vld [tilespmem:$0x0]  }
0x49: {  	[tilespmem:s2], [sflag:$0x2] =	stream.linear.gather [hbm4b:s7+s2], $0x10, $0x38;
	[tilespmem:$0x1180] =	vst v63  }
0x4a: {  	_ =	swait.ge [sflag:s3], $0x10  }
0x4b: {  	[sflag:s3] =	ssyncset.done $0x0  }
0x4c: {  	[sflag:s3] =	ssyncadd.s32 $0xFFFFFFF0  }
0x4d: {  	v2 =	vmul.u32 $0x3, v2;
	v3 =	vld [tilespmem:$0x0]  }
0x4e: {  	v0 =	vmul.u32 $0x3000, v0;
	_ =	sdelay $0x1  }
0x4f: {  	v0 =	vadd.s32 v0, v1  }
0x50: {  	v0 =	vadd.s32 v2, v0  }
0x51: {  	v0 =	vadd.s32 v3, v0  }
0x52: {  	v0 =	vmul.u32 $0x55, v0;
	_ =	sdelay $0x1  }
0x53: {  	v0 =	vshra.s32 v0, $0x7  }
0x54: {  	[tilespmem:$0x80] =	vst v0;
	vm0 =	vlt.s32 v0, $0xFEFE  }
0x55: {  	v0 =	vnsel vm0, $0xFEFE, v0  }
0x56: {  	v0 =	vadd.s32 $0x1, v0  }
0x57: {  	[tilespmem:$0x100] =	vst v0  }
0x58: {  	[tilespmem:s11], [sflag:$0x1] =	stream.indirect.gather [hbm4b:s8+s9], $0x80, s10, s9, $0xb8;
	[tilespmem:$0x1180] =	vst v63  }
0x59: {  	_ = 	snop  }
0x5a: {  	[tilespmem:s13], [sflag:$0x1] =	stream.indirect.gather [hbm4b:s8+s9], $0x80, s12, s9, $0xb8;
	[tilespmem:$0x1180] =	vst v63  }
0x5b: {  	_ =	swait.ge [sflag:s14], $0x800  }
0x5c: {  	[sflag:s14] =	ssyncset.done $0x0  }
0x5d: {  	[sflag:s14] =	ssyncadd.s32 $0xFFFFF800  }
0x5e: {  	_ =	swait.ge [sflag:s14], $0x800  }
0x5f: {  	[sflag:s14] =	ssyncset.done $0x0  }
0x60: {  	[sflag:s14] =	ssyncadd.s32 $0xFFFFF800  }
0x61: {  	[hbm4b:s15+s16] =	stream.strided.scatter [tilespmem:s11], [sflag:$0x2], $0x800, s17, s16, $0x38;
	[tilespmem:$0x1180] =	vst v63  }
0x62: {  	_ =	swait.ge [sflag:s3], $0x800  }
.Ltmp2:
0x63: {  	[sflag:s3] =	ssyncset.done $0x0;
	(pc) =	sbr.rel @p0 .LBB2_2-.Ltmp2, $4  }
0x64: {  	[sflag:s3] =	ssyncadd.s32 $0xFFFFF800  }
0x65: {  	[hbm4b:s18+s16] =	stream.strided.scatter [tilespmem:s13], [sflag:$0x2], $0x800, s17, s16, $0x38;
	[tilespmem:$0x1180] =	vst v63  }
0x66: {  	_ =	swait.ge [sflag:s3], $0x800  }
0x67: {  	[sflag:s3] =	ssyncset.done $0x0  }
.LBB2_3:
0x68: {  	[sflag:s3] =	ssyncadd.s32 $0xFFFFF800  }
.LBB2_4:
0x69: {  	_ =	sfence.sel $0x180000  }
0x6a: {  	[bflag:$0x0] =	sbarrier.arrive $0xFFFF  }
0x6b: {  	p0 =	sne.s32 s1, $0x0;
	_ =	strace $0x90000047  }
0x6c: {  	s0 =	sadd.s32 @!p0 $0x100000, s0;
	[bflag:$0x2] =	sbarrier.arrive $0xFFFF  }
0x6d: {  	[sflag:s0] =	ssyncadd.tile.s32 @!p0 $0x1;
	_ =	shalt  }
.Lfunc_end2:
_tile_overlayer_lowered:
.L_overlay_start_2:
0x6e: {  	(tag) =	ssettag $0x2  }
0x6f: {  	s0 =	rddreg [dreg:$0x0];
	s2 =	stileid.u32  }
0x70: {  	s1 =	rddreg [dreg:$0x1];
	p0 =	sne.s32 s2, $0x0  }
0x71: {  	s3 =	rddreg [dreg:$0x2];
	[bflag:$0x3] =	sbarrier.arrive $0xFFFF;
	s2 =	simm.s32 @!p0 $0x1C02  }
0x72: {  	[timem:s3], [sflag:s2] =	dma.local @!p0 [hbm:s0], s1  }
0x73: {  	s0 =	simm.s32 @!p0 $0x2  }
0x74: {  	_ =	swait.ge @!p0 [sflag:s0], s1  }
0x75: {  	s1 =	ssub.s32 @!p0 $0x0, s1;
	[sflag:s0] =	ssyncset.done @!p0 $0x0  }
0x76: {  	[sflag:s0] =	ssyncadd.s32 @!p0 s1  }
0x77: {  	[bflag:$0x3] =	sbarrier.arrive $0xFFFF  }
0x78: {  	_ =	shalt  }

</sc_bundles>
